<compile_context>
chip_gen: v7x
topology: tpu7x:2x2x1
jax: 0.10.2.dev20260603
libtpu: 0.0.44.dev20260713+nightly
codegen_flags: <defaults>
</compile_context>

<pallas_src>
import functools

import jax
import jax.numpy as jnp
from jax import lax
from jax.experimental import pallas as pl
from jax.experimental.pallas import tpu as pltpu
from jax.experimental.pallas import tpu_sc as plsc

N_NODES = 10000
N_EDGES = 160000
NP = 10240
N_TILES = 16
K = 128
EPT = 10240
BPT = EPT // K
EPAD = N_TILES * EPT
ROWS_PT = NP // N_TILES


def _make_segsum(D, chunkb, tc_tiling=True):
    mesh = plsc.VectorSubcoreMesh(core_axis_name="c", subcore_axis_name="s")

    @functools.partial(
        pl.kernel,
        out_type=jax.ShapeDtypeStruct((2 * NP, D), jnp.float32),
        mesh=mesh,
        compiler_params=pltpu.CompilerParams(use_tc_tiling_on_sc=tc_tiling),
        scratch_types=[
            pltpu.VMEM_SHARED((NP, D), jnp.float32),
            pltpu.VMEM((chunkb, K), jnp.int32),
            pltpu.VMEM((chunkb, K), jnp.int32),
            pltpu.VMEM((K, D), jnp.float32),
            pltpu.VMEM((K, D), jnp.float32),
            pltpu.SemaphoreType.DMA,
            pltpu.SemaphoreType.DMA,
        ],
    )
    def seg(t_hbm, src3_hbm, dst3_hbm, init_hbm, out_hbm,
            acc, src_v, dst_v, rows0, rows1, sem0, sem1):
        c = lax.axis_index("c")
        s = lax.axis_index("s")
        row0 = s * ROWS_PT
        pltpu.sync_copy(init_hbm.at[pl.ds(c * NP + row0, ROWS_PT)],
                        acc.at[pl.ds(row0, ROWS_PT)])
        plsc.subcore_barrier()

        for h in range(BPT // chunkb):
            pltpu.sync_copy(
                src3_hbm.at[c * N_TILES + s].at[pl.ds(h * chunkb, chunkb)],
                src_v)
            pltpu.sync_copy(
                dst3_hbm.at[s].at[pl.ds(h * chunkb, chunkb)], dst_v)
            pltpu.async_copy(t_hbm.at[src_v.at[0]], rows0, sem0)

            def body(j, carry):
                i0 = 2 * j
                i1 = i0 + 1
                i2 = i0 + 2
                pltpu.async_copy(t_hbm.at[src_v.at[i1]], rows1, sem1)
                pltpu.make_async_copy(t_hbm.at[src_v.at[i0]], rows0, sem0).wait()
                pltpu.sync_copy(rows0, acc.at[dst_v.at[i0]], add=True)

                @pl.when(i2 < chunkb)
                def _():
                    pltpu.async_copy(t_hbm.at[src_v.at[i2]], rows0, sem0)

                pltpu.make_async_copy(t_hbm.at[src_v.at[i1]], rows1, sem1).wait()
                pltpu.sync_copy(rows1, acc.at[dst_v.at[i1]], add=True)
                return carry

            lax.fori_loop(0, chunkb // 2, body, 0)
        plsc.subcore_barrier()
        pltpu.sync_copy(acc.at[pl.ds(row0, ROWS_PT)],
                        out_hbm.at[pl.ds(c * NP + row0, ROWS_PT)])

    return seg


_segsum128 = _make_segsum(128, chunkb=40)
_segsum16 = _make_segsum(16, chunkb=80, tc_tiling=False)


def _mlp_body(a0_ref, a1_ref, w1a_ref, w1b_ref, b1_ref, w2_ref, o_ref):
    h = jnp.dot(a0_ref[...], w1a_ref[...], preferred_element_type=jnp.float32)
    h = h + jnp.dot(a1_ref[...], w1b_ref[...], preferred_element_type=jnp.float32)
    h = jnp.maximum(h + b1_ref[...], 0.0)
    o_ref[...] = jnp.dot(h, w2_ref[...], preferred_element_type=jnp.float32)


def _mlp(agg, W1, b1r, W2):
    M = 1024
    nblk = NP // M
    return pl.pallas_call(
        _mlp_body,
        grid=(nblk,),
        in_specs=[
            pl.BlockSpec((M, 128), lambda i: (i, 0)),
            pl.BlockSpec((M, 128), lambda i: (i + NP // M, 0)),
            pl.BlockSpec((128, 512), lambda i: (0, 0)),
            pl.BlockSpec((128, 512), lambda i: (1, 0)),
            pl.BlockSpec((1, 512), lambda i: (0, 0)),
            pl.BlockSpec((512, 32), lambda i: (0, 0)),
        ],
        out_specs=pl.BlockSpec((M, 32), lambda i: (i, 0)),
        out_shape=jax.ShapeDtypeStruct((NP, 32), jnp.float32),
    )(agg, agg, W1, W1, b1r, W2)


def kernel(x, edge_index, W1, b1, W2, b2):
    src = edge_index[0].astype(jnp.int32)
    dst = edge_index[1].astype(jnp.int32)
    n = x.shape[0]
    zpad = jnp.zeros((NP - n, 128), jnp.float32)
    t1 = jnp.concatenate([x[:, :128], zpad, x[:, 128:], zpad], axis=0)
    srcp = jnp.concatenate([src, jnp.full((EPAD - N_EDGES,), n, jnp.int32)])
    dstp = jnp.concatenate([dst, jnp.zeros((EPAD - N_EDGES,), jnp.int32)])
    src3 = jnp.stack([srcp, srcp + NP]).reshape(2 * N_TILES, BPT, K)
    dst3 = dstp.reshape(N_TILES, BPT, K)

    agg = _segsum128(t1, src3, dst3, jnp.zeros((2 * NP, 128), jnp.float32))
    p = _mlp(agg, W1, b1.reshape(1, -1), W2)
    t2 = jnp.concatenate([p[:, :16], p[:, 16:]], axis=0)
    init2 = jnp.concatenate(
        [jnp.broadcast_to(b2[:16], (NP, 16)), jnp.broadcast_to(b2[16:], (NP, 16))],
        axis=0)
    o = _segsum16(t2, src3, dst3, init2)
    return jnp.concatenate([o[:n], o[NP:NP + n]], axis=1)

# --- scband reference (transcript-rebuilt; emitter-appended) ---
"""Pipeline reference for scband-p0-gcn-40664750359211 (READ-ONLY COPY).

The authoritative reference and input builder live on the scoring server;
editing this copy changes nothing except your own understanding.
"""

import jax, jax.numpy as jnp
import numpy as np

N_NODES = 10000
N_EDGES = 160000
D_FEAT = 256
HIDDEN = 512
N_CLASSES = 32


def setup_inputs(seed: int = 0) -> dict:
    key = jax.random.key(seed)
    k_x, k_e, k_w1, k_b1, k_w2, k_b2 = jax.random.split(key, 6)
    x = jax.random.normal(k_x, (N_NODES, D_FEAT), dtype=jnp.float32)
    edge_index = jax.random.randint(k_e, (2, N_EDGES), 0, N_NODES, dtype=jnp.int64)
    W1 = jax.random.normal(k_w1, (D_FEAT, HIDDEN), dtype=jnp.float32) * (1.0 / np.sqrt(D_FEAT))
    b1 = jnp.zeros((HIDDEN,), dtype=jnp.float32)
    W2 = jax.random.normal(k_w2, (HIDDEN, N_CLASSES), dtype=jnp.float32) * (1.0 / np.sqrt(HIDDEN))
    b2 = jnp.zeros((N_CLASSES,), dtype=jnp.float32)
    return {"x": x, "edge_index": edge_index, "W1": W1, "b1": b1, "W2": W2, "b2": b2}


def _conv0p(x, src, dst, W, b, num_nodes):
    # ptens ConvolutionalLayer_0P on 0th-order ptensors: gather neighbor features,
    # sum-reduce onto destination nodes, then apply a learned linear map.
    msgs = jnp.take(x, src, axis=0)                       # gather  [E, d]
    agg = jax.ops.segment_sum(msgs, dst, num_segments=num_nodes)  # scatter-add [N, d]
    return agg @ W + b


def reference(x, edge_index, W1, b1, W2, b2):
    src = edge_index[0]
    dst = edge_index[1]
    n = x.shape[0]
    h = _conv0p(x, src, dst, W1, b1, n)
    h = jnp.maximum(h, 0.0)  # relu
    # Dropout(prob=0.5) — evaluated in inference mode (identity), matching eval-time forward.
    out = _conv0p(h, src, dst, W2, b2, n)
    return out

if __name__ == "__main__":
    import jax
    _d = setup_inputs()
    print(jax.jit(kernel)(*tuple(_d.values())))

</pallas_src>

<mosaic_0001>
#map = affine_map<(d0, d1) -> (0, 0)>
#map1 = affine_map<(d0, d1) -> (0, 0, 0)>
module attributes {stable_mosaic.version = 14 : i64} {
  func.func @seg(%arg0: i32, %arg1: i32, %arg2: memref<20480x16xf32, #tpu.memory_space<hbm>>, %arg3: memref<32x80x128xi32, #tpu.memory_space<hbm>>, %arg4: memref<16x80x128xi32, #tpu.memory_space<hbm>>, %arg5: memref<20480x16xf32, #tpu.memory_space<hbm>>, %arg6: memref<20480x16xf32, #tpu.memory_space<hbm>>, %arg7: memref<10240x16xf32, #tpu.memory_space<vmem_shared>>, %arg8: memref<80x128xi32, #tpu.memory_space<vmem>>, %arg9: memref<80x128xi32, #tpu.memory_space<vmem>>, %arg10: memref<128x16xf32, #tpu.memory_space<vmem>>, %arg11: memref<128x16xf32, #tpu.memory_space<vmem>>, %arg12: memref<!tpu.dma_semaphore, #tpu.memory_space<semaphore_mem>>, %arg13: memref<!tpu.dma_semaphore, #tpu.memory_space<semaphore_mem>>) attributes {dimension_semantics = [#tpu.dimension_semantics<core_parallel>, #tpu.dimension_semantics<subcore_parallel>], iteration_bounds = array<i64: 2, 16>, scalar_prefetch = 0 : i64, scratch_operands = 7 : i64, tpu.core_type = #tpu.core_type<sc_vector_subcore>, window_params = [{transform_indices = #map}, {transform_indices = #map1}, {transform_indices = #map1}, {transform_indices = #map}, {transform_indices = #map}]} {
    %mul3A = arith.constant 640 : i32
    %mul3A_0 = arith.muli %arg1, %mul3A : i32
    %mul3A_1 = arith.constant 10240 : i32
    %mul3A_2 = arith.muli %arg0, %mul3A_1 : i32
    %add3A = arith.addi %mul3A_2, %mul3A_0 : i32
    "tpu.region"() ({
      %run_scoped3A = tpu.sem_alloc : memref<!tpu.dma_semaphore, #tpu.memory_space<semaphore_mem>>
      %dma_start3A_21 = arith.constant 0 : i32
      %dma_start3A_22 = tpu.memref_slice %arg7[%mul3A_0, %dma_start3A_21] : memref<10240x16xf32, #tpu.memory_space<vmem_shared>> -> memref<640x16xf32, #tpu.memory_space<vmem_shared>>
      %dma_start3A_23 = arith.constant 0 : i32
      %dma_start3A_24 = tpu.memref_slice %arg5[%add3A, %dma_start3A_23] : memref<20480x16xf32, #tpu.memory_space<hbm>> -> memref<640x16xf32, #tpu.memory_space<hbm>>
      tpu.enqueue_dma source(%dma_start3A_24 : memref<640x16xf32, #tpu.memory_space<hbm>>) target(%dma_start3A_22 : memref<640x16xf32, #tpu.memory_space<vmem_shared>>) target_semaphore(%run_scoped3A : memref<!tpu.dma_semaphore, #tpu.memory_space<semaphore_mem>>)
      %dma_wait3A = arith.constant 0 : i32
      %dma_wait3A_25 = tpu.memref_slice %arg7[%mul3A_0, %dma_wait3A] : memref<10240x16xf32, #tpu.memory_space<vmem_shared>> -> memref<640x16xf32, #tpu.memory_space<vmem_shared>>
      %dma_wait3A_26 = arith.constant 0 : i32
      %dma_wait3A_27 = tpu.memref_slice %arg5[%add3A, %dma_wait3A_26] : memref<20480x16xf32, #tpu.memory_space<hbm>> -> memref<640x16xf32, #tpu.memory_space<hbm>>
      tpu.wait_dma2 semaphore(%run_scoped3A : memref<!tpu.dma_semaphore, #tpu.memory_space<semaphore_mem>>) src(%dma_wait3A_27 : memref<640x16xf32, #tpu.memory_space<hbm>>) dst(%dma_wait3A_25 : memref<640x16xf32, #tpu.memory_space<vmem_shared>>)
      tpu.yield
    }) : () -> ()
    %barrier3A = arith.constant 0 : index
    tpu.barrier barrier_id(%barrier3A)
    %mul3A_3 = arith.constant 16 : i32
    %mul3A_4 = arith.muli %arg0, %mul3A_3 : i32
    %add3A_5 = arith.addi %mul3A_4, %arg1 : i32
    "tpu.region"() ({
      %run_scoped3A = tpu.sem_alloc : memref<!tpu.dma_semaphore, #tpu.memory_space<semaphore_mem>>
      %dma_start3A_21 = arith.constant 0 : i32
      %dma_start3A_22 = arith.constant 0 : i32
      %dma_start3A_23 = tpu.memref_slice %arg3[%add3A_5, %dma_start3A_21, %dma_start3A_22] : memref<32x80x128xi32, #tpu.memory_space<hbm>> -> memref<1x80x128xi32, #tpu.memory_space<hbm>>
      %dma_start3A_24 = tpu.memref_squeeze %dma_start3A_23 : memref<1x80x128xi32, #tpu.memory_space<hbm>> -> memref<80x128xi32, #tpu.memory_space<hbm>>
      %dma_start3A_25 = arith.constant 0 : i32
      %dma_start3A_26 = arith.constant 0 : i32
      %dma_start3A_27 = tpu.memref_slice %dma_start3A_24[%dma_start3A_25, %dma_start3A_26] : memref<80x128xi32, #tpu.memory_space<hbm>> -> memref<80x128xi32, #tpu.memory_space<hbm>>
      %dma_start3A_28 = arith.constant 0 : i32
      %dma_start3A_29 = arith.constant 0 : i32
      %dma_start3A_30 = tpu.memref_slice %arg3[%add3A_5, %dma_start3A_28, %dma_start3A_29] : memref<32x80x128xi32, #tpu.memory_space<hbm>> -> memref<1x80x128xi32, #tpu.memory_space<hbm>>
      %dma_start3A_31 = tpu.memref_squeeze %dma_start3A_30 : memref<1x80x128xi32, #tpu.memory_space<hbm>> -> memref<80x128xi32, #tpu.memory_space<hbm>>
      %dma_start3A_32 = arith.constant 0 : i32
      %dma_start3A_33 = arith.constant 0 : i32
      %dma_start3A_34 = tpu.memref_slice %dma_start3A_31[%dma_start3A_32, %dma_start3A_33] : memref<80x128xi32, #tpu.memory_space<hbm>> -> memref<80x128xi32, #tpu.memory_space<hbm>>
      tpu.enqueue_dma source(%dma_start3A_34 : memref<80x128xi32, #tpu.memory_space<hbm>>) target(%arg8 : memref<80x128xi32, #tpu.memory_space<vmem>>) target_semaphore(%run_scoped3A : memref<!tpu.dma_semaphore, #tpu.memory_space<semaphore_mem>>)
      %dma_wait3A = arith.constant 0 : i32
      %dma_wait3A_35 = arith.constant 0 : i32
      %dma_wait3A_36 = tpu.memref_slice %arg3[%add3A_5, %dma_wait3A, %dma_wait3A_35] : memref<32x80x128xi32, #tpu.memory_space<hbm>> -> memref<1x80x128xi32, #tpu.memory_space<hbm>>
      %dma_wait3A_37 = tpu.memref_squeeze %dma_wait3A_36 : memref<1x80x128xi32, #tpu.memory_space<hbm>> -> memref<80x128xi32, #tpu.memory_space<hbm>>
      %dma_wait3A_38 = arith.constant 0 : i32
      %dma_wait3A_39 = arith.constant 0 : i32
      %dma_wait3A_40 = tpu.memref_slice %dma_wait3A_37[%dma_wait3A_38, %dma_wait3A_39] : memref<80x128xi32, #tpu.memory_space<hbm>> -> memref<80x128xi32, #tpu.memory_space<hbm>>
      %dma_wait3A_41 = arith.constant 0 : i32
      %dma_wait3A_42 = arith.constant 0 : i32
      %dma_wait3A_43 = tpu.memref_slice %arg3[%add3A_5, %dma_wait3A_41, %dma_wait3A_42] : memref<32x80x128xi32, #tpu.memory_space<hbm>> -> memref<1x80x128xi32, #tpu.memory_space<hbm>>
      %dma_wait3A_44 = tpu.memref_squeeze %dma_wait3A_43 : memref<1x80x128xi32, #tpu.memory_space<hbm>> -> memref<80x128xi32, #tpu.memory_space<hbm>>
      %dma_wait3A_45 = arith.constant 0 : i32
      %dma_wait3A_46 = arith.constant 0 : i32
      %dma_wait3A_47 = tpu.memref_slice %dma_wait3A_44[%dma_wait3A_45, %dma_wait3A_46] : memref<80x128xi32, #tpu.memory_space<hbm>> -> memref<80x128xi32, #tpu.memory_space<hbm>>
      tpu.wait_dma2 semaphore(%run_scoped3A : memref<!tpu.dma_semaphore, #tpu.memory_space<semaphore_mem>>) src(%dma_wait3A_47 : memref<80x128xi32, #tpu.memory_space<hbm>>) dst(%arg8 : memref<80x128xi32, #tpu.memory_space<vmem>>)
      tpu.yield
    }) : () -> ()
    "tpu.region"() ({
      %run_scoped3A = tpu.sem_alloc : memref<!tpu.dma_semaphore, #tpu.memory_space<semaphore_mem>>
      %dma_start3A_21 = arith.constant 0 : i32
      %dma_start3A_22 = arith.constant 0 : i32
      %dma_start3A_23 = tpu.memref_slice %arg4[%arg1, %dma_start3A_21, %dma_start3A_22] : memref<16x80x128xi32, #tpu.memory_space<hbm>> -> memref<1x80x128xi32, #tpu.memory_space<hbm>>
      %dma_start3A_24 = tpu.memref_squeeze %dma_start3A_23 : memref<1x80x128xi32, #tpu.memory_space<hbm>> -> memref<80x128xi32, #tpu.memory_space<hbm>>
      %dma_start3A_25 = arith.constant 0 : i32
      %dma_start3A_26 = arith.constant 0 : i32
      %dma_start3A_27 = tpu.memref_slice %dma_start3A_24[%dma_start3A_25, %dma_start3A_26] : memref<80x128xi32, #tpu.memory_space<hbm>> -> memref<80x128xi32, #tpu.memory_space<hbm>>
      %dma_start3A_28 = arith.constant 0 : i32
      %dma_start3A_29 = arith.constant 0 : i32
      %dma_start3A_30 = tpu.memref_slice %arg4[%arg1, %dma_start3A_28, %dma_start3A_29] : memref<16x80x128xi32, #tpu.memory_space<hbm>> -> memref<1x80x128xi32, #tpu.memory_space<hbm>>
      %dma_start3A_31 = tpu.memref_squeeze %dma_start3A_30 : memref<1x80x128xi32, #tpu.memory_space<hbm>> -> memref<80x128xi32, #tpu.memory_space<hbm>>
      %dma_start3A_32 = arith.constant 0 : i32
      %dma_start3A_33 = arith.constant 0 : i32
      %dma_start3A_34 = tpu.memref_slice %dma_start3A_31[%dma_start3A_32, %dma_start3A_33] : memref<80x128xi32, #tpu.memory_space<hbm>> -> memref<80x128xi32, #tpu.memory_space<hbm>>
      tpu.enqueue_dma source(%dma_start3A_34 : memref<80x128xi32, #tpu.memory_space<hbm>>) target(%arg9 : memref<80x128xi32, #tpu.memory_space<vmem>>) target_semaphore(%run_scoped3A : memref<!tpu.dma_semaphore, #tpu.memory_space<semaphore_mem>>)
      %dma_wait3A = arith.constant 0 : i32
      %dma_wait3A_35 = arith.constant 0 : i32
      %dma_wait3A_36 = tpu.memref_slice %arg4[%arg1, %dma_wait3A, %dma_wait3A_35] : memref<16x80x128xi32, #tpu.memory_space<hbm>> -> memref<1x80x128xi32, #tpu.memory_space<hbm>>
      %dma_wait3A_37 = tpu.memref_squeeze %dma_wait3A_36 : memref<1x80x128xi32, #tpu.memory_space<hbm>> -> memref<80x128xi32, #tpu.memory_space<hbm>>
      %dma_wait3A_38 = arith.constant 0 : i32
      %dma_wait3A_39 = arith.constant 0 : i32
      %dma_wait3A_40 = tpu.memref_slice %dma_wait3A_37[%dma_wait3A_38, %dma_wait3A_39] : memref<80x128xi32, #tpu.memory_space<hbm>> -> memref<80x128xi32, #tpu.memory_space<hbm>>
      %dma_wait3A_41 = arith.constant 0 : i32
      %dma_wait3A_42 = arith.constant 0 : i32
      %dma_wait3A_43 = tpu.memref_slice %arg4[%arg1, %dma_wait3A_41, %dma_wait3A_42] : memref<16x80x128xi32, #tpu.memory_space<hbm>> -> memref<1x80x128xi32, #tpu.memory_space<hbm>>
      %dma_wait3A_44 = tpu.memref_squeeze %dma_wait3A_43 : memref<1x80x128xi32, #tpu.memory_space<hbm>> -> memref<80x128xi32, #tpu.memory_space<hbm>>
      %dma_wait3A_45 = arith.constant 0 : i32
      %dma_wait3A_46 = arith.constant 0 : i32
      %dma_wait3A_47 = tpu.memref_slice %dma_wait3A_44[%dma_wait3A_45, %dma_wait3A_46] : memref<80x128xi32, #tpu.memory_space<hbm>> -> memref<80x128xi32, #tpu.memory_space<hbm>>
      tpu.wait_dma2 semaphore(%run_scoped3A : memref<!tpu.dma_semaphore, #tpu.memory_space<semaphore_mem>>) src(%dma_wait3A_47 : memref<80x128xi32, #tpu.memory_space<hbm>>) dst(%arg9 : memref<80x128xi32, #tpu.memory_space<vmem>>)
      tpu.yield
    }) : () -> ()
    %dma_start3A = arith.constant 0 : i32
    %dma_start3A_6 = arith.constant 0 : i32
    %dma_start3A_7 = tpu.memref_slice %arg8[%dma_start3A, %dma_start3A_6] : memref<80x128xi32, #tpu.memory_space<vmem>> -> memref<1x128xi32, #tpu.memory_space<vmem>>
    %dma_start3A_8 = tpu.memref_squeeze %dma_start3A_7 : memref<1x128xi32, #tpu.memory_space<vmem>> -> memref<128xi32, #tpu.memory_space<vmem>>
    %dma_start3A_9 = arith.constant 0 : i32
    %dma_start3A_10 = arith.constant 0 : i32
    %dma_start3A_11 = tpu.memref_slice %arg2[%dma_start3A_9, %dma_start3A_10] : memref<20480x16xf32, #tpu.memory_space<hbm>> -> memref<20480x16xf32, #tpu.memory_space<hbm>>
    tpu.enqueue_indirect_dma source(%dma_start3A_11 : memref<20480x16xf32, #tpu.memory_space<hbm>>) target(%arg10 : memref<128x16xf32, #tpu.memory_space<vmem>>) offsets(%dma_start3A_8 : memref<128xi32, #tpu.memory_space<vmem>>) semaphore(%arg12 : memref<!tpu.dma_semaphore, #tpu.memory_space<semaphore_mem>>)
    %scan3A = arith.constant 0 : i32
    %scan3A_12 = arith.constant 0 : i32
    %scan3A_13 = arith.constant 40 : i32
    %scan3A_14 = arith.addi %scan3A_12, %scan3A_13 : i32
    %scan3A_15 = arith.constant 1 : i32
    scf.for %scan3A_21 = %scan3A_12 to %scan3A_14 step %scan3A_15  : i32 {
      %mul3A_22 = arith.constant 2 : i32
      %mul3A_23 = arith.muli %mul3A_22, %scan3A_21 : i32
      %add3A_24 = arith.constant 1 : i32
      %add3A_25 = arith.addi %mul3A_23, %add3A_24 : i32
      %add3A_26 = arith.constant 2 : i32
      %add3A_27 = arith.addi %mul3A_23, %add3A_26 : i32
      %dma_start3A_28 = arith.constant 0 : i32
      %dma_start3A_29 = tpu.memref_slice %arg8[%add3A_25, %dma_start3A_28] : memref<80x128xi32, #tpu.memory_space<vmem>> -> memref<1x128xi32, #tpu.memory_space<vmem>>
      %dma_start3A_30 = tpu.memref_squeeze %dma_start3A_29 : memref<1x128xi32, #tpu.memory_space<vmem>> -> memref<128xi32, #tpu.memory_space<vmem>>
      %dma_start3A_31 = arith.constant 0 : i32
      %dma_start3A_32 = arith.constant 0 : i32
      %dma_start3A_33 = tpu.memref_slice %arg2[%dma_start3A_31, %dma_start3A_32] : memref<20480x16xf32, #tpu.memory_space<hbm>> -> memref<20480x16xf32, #tpu.memory_space<hbm>>
      tpu.enqueue_indirect_dma source(%dma_start3A_33 : memref<20480x16xf32, #tpu.memory_space<hbm>>) target(%arg11 : memref<128x16xf32, #tpu.memory_space<vmem>>) offsets(%dma_start3A_30 : memref<128xi32, #tpu.memory_space<vmem>>) semaphore(%arg13 : memref<!tpu.dma_semaphore, #tpu.memory_space<semaphore_mem>>)
      %dma_wait3A = arith.constant 0 : i32
      %dma_wait3A_34 = tpu.memref_slice %arg8[%mul3A_23, %dma_wait3A] : memref<80x128xi32, #tpu.memory_space<vmem>> -> memref<1x128xi32, #tpu.memory_space<vmem>>
      %dma_wait3A_35 = tpu.memref_squeeze %dma_wait3A_34 : memref<1x128xi32, #tpu.memory_space<vmem>> -> memref<128xi32, #tpu.memory_space<vmem>>
      %dma_wait3A_36 = arith.constant 0 : i32
      %dma_wait3A_37 = arith.constant 0 : i32
      %dma_wait3A_38 = tpu.memref_slice %arg2[%dma_wait3A_36, %dma_wait3A_37] : memref<20480x16xf32, #tpu.memory_space<hbm>> -> memref<20480x16xf32, #tpu.memory_space<hbm>>
      tpu.wait_indirect_dma semaphore(%arg12 : memref<!tpu.dma_semaphore, #tpu.memory_space<semaphore_mem>>) src(%dma_wait3A_38 : memref<20480x16xf32, #tpu.memory_space<hbm>>) dst(%arg10 : memref<128x16xf32, #tpu.memory_space<vmem>>)
      "tpu.region"() ({
        %run_scoped3A = tpu.sem_alloc : memref<!tpu.dma_semaphore, #tpu.memory_space<semaphore_mem>>
        %dma_start3A_47 = arith.constant 0 : i32
        %dma_start3A_48 = tpu.memref_slice %arg9[%mul3A_23, %dma_start3A_47] : memref<80x128xi32, #tpu.memory_space<vmem>> -> memref<1x128xi32, #tpu.memory_space<vmem>>
        %dma_start3A_49 = tpu.memref_squeeze %dma_start3A_48 : memref<1x128xi32, #tpu.memory_space<vmem>> -> memref<128xi32, #tpu.memory_space<vmem>>
        %dma_start3A_50 = arith.constant 0 : i32
        %dma_start3A_51 = arith.constant 0 : i32
        %dma_start3A_52 = tpu.memref_slice %arg7[%dma_start3A_50, %dma_start3A_51] : memref<10240x16xf32, #tpu.memory_space<vmem_shared>> -> memref<10240x16xf32, #tpu.memory_space<vmem_shared>>
        tpu.enqueue_indirect_dma source(%arg10 : memref<128x16xf32, #tpu.memory_space<vmem>>) target(%dma_start3A_52 : memref<10240x16xf32, #tpu.memory_space<vmem_shared>>) offsets(%dma_start3A_49 : memref<128xi32, #tpu.memory_space<vmem>>) semaphore(%run_scoped3A : memref<!tpu.dma_semaphore, #tpu.memory_space<semaphore_mem>>) {add = true}
        %dma_wait3A_53 = arith.constant 0 : i32
        %dma_wait3A_54 = tpu.memref_slice %arg9[%mul3A_23, %dma_wait3A_53] : memref<80x128xi32, #tpu.memory_space<vmem>> -> memref<1x128xi32, #tpu.memory_space<vmem>>
        %dma_wait3A_55 = tpu.memref_squeeze %dma_wait3A_54 : memref<1x128xi32, #tpu.memory_space<vmem>> -> memref<128xi32, #tpu.memory_space<vmem>>
        %dma_wait3A_56 = arith.constant 0 : i32
        %dma_wait3A_57 = arith.constant 0 : i32
        %dma_wait3A_58 = tpu.memref_slice %arg7[%dma_wait3A_56, %dma_wait3A_57] : memref<10240x16xf32, #tpu.memory_space<vmem_shared>> -> memref<10240x16xf32, #tpu.memory_space<vmem_shared>>
        tpu.wait_indirect_dma semaphore(%run_scoped3A : memref<!tpu.dma_semaphore, #tpu.memory_space<semaphore_mem>>) src(%arg10 : memref<128x16xf32, #tpu.memory_space<vmem>>) dst(%dma_wait3A_58 : memref<10240x16xf32, #tpu.memory_space<vmem_shared>>)
        tpu.yield
      }) : () -> ()
      %lt3A = arith.constant 80 : i32
      %lt3A_39 = arith.cmpi slt, %add3A_27, %lt3A : i32
      %convert_element_type3A = arith.extui %lt3A_39 : i1 to i32
      %cond3A = arith.constant 0 : i32
      %cond3A_40 = arith.cmpi ne, %convert_element_type3A, %cond3A : i32
      scf.if %cond3A_40 {
        %dma_start3A_47 = arith.constant 0 : i32
        %dma_start3A_48 = tpu.memref_slice %arg8[%add3A_27, %dma_start3A_47] : memref<80x128xi32, #tpu.memory_space<vmem>> -> memref<1x128xi32, #tpu.memory_space<vmem>>
        %dma_start3A_49 = tpu.memref_squeeze %dma_start3A_48 : memref<1x128xi32, #tpu.memory_space<vmem>> -> memref<128xi32, #tpu.memory_space<vmem>>
        %dma_start3A_50 = arith.constant 0 : i32
        %dma_start3A_51 = arith.constant 0 : i32
        %dma_start3A_52 = tpu.memref_slice %arg2[%dma_start3A_50, %dma_start3A_51] : memref<20480x16xf32, #tpu.memory_space<hbm>> -> memref<20480x16xf32, #tpu.memory_space<hbm>>
        tpu.enqueue_indirect_dma source(%dma_start3A_52 : memref<20480x16xf32, #tpu.memory_space<hbm>>) target(%arg10 : memref<128x16xf32, #tpu.memory_space<vmem>>) offsets(%dma_start3A_49 : memref<128xi32, #tpu.memory_space<vmem>>) semaphore(%arg12 : memref<!tpu.dma_semaphore, #tpu.memory_space<semaphore_mem>>)
      } else {
      }
      %dma_wait3A_41 = arith.constant 0 : i32
      %dma_wait3A_42 = tpu.memref_slice %arg8[%add3A_25, %dma_wait3A_41] : memref<80x128xi32, #tpu.memory_space<vmem>> -> memref<1x128xi32, #tpu.memory_space<vmem>>
      %dma_wait3A_43 = tpu.memref_squeeze %dma_wait3A_42 : memref<1x128xi32, #tpu.memory_space<vmem>> -> memref<128xi32, #tpu.memory_space<vmem>>
      %dma_wait3A_44 = arith.constant 0 : i32
      %dma_wait3A_45 = arith.constant 0 : i32
      %dma_wait3A_46 = tpu.memref_slice %arg2[%dma_wait3A_44, %dma_wait3A_45] : memref<20480x16xf32, #tpu.memory_space<hbm>> -> memref<20480x16xf32, #tpu.memory_space<hbm>>
      tpu.wait_indirect_dma semaphore(%arg13 : memref<!tpu.dma_semaphore, #tpu.memory_space<semaphore_mem>>) src(%dma_wait3A_46 : memref<20480x16xf32, #tpu.memory_space<hbm>>) dst(%arg11 : memref<128x16xf32, #tpu.memory_space<vmem>>)
      "tpu.region"() ({
        %run_scoped3A = tpu.sem_alloc : memref<!tpu.dma_semaphore, #tpu.memory_space<semaphore_mem>>
        %dma_start3A_47 = arith.constant 0 : i32
        %dma_start3A_48 = tpu.memref_slice %arg9[%add3A_25, %dma_start3A_47] : memref<80x128xi32, #tpu.memory_space<vmem>> -> memref<1x128xi32, #tpu.memory_space<vmem>>
        %dma_start3A_49 = tpu.memref_squeeze %dma_start3A_48 : memref<1x128xi32, #tpu.memory_space<vmem>> -> memref<128xi32, #tpu.memory_space<vmem>>
        %dma_start3A_50 = arith.constant 0 : i32
        %dma_start3A_51 = arith.constant 0 : i32
        %dma_start3A_52 = tpu.memref_slice %arg7[%dma_start3A_50, %dma_start3A_51] : memref<10240x16xf32, #tpu.memory_space<vmem_shared>> -> memref<10240x16xf32, #tpu.memory_space<vmem_shared>>
        tpu.enqueue_indirect_dma source(%arg11 : memref<128x16xf32, #tpu.memory_space<vmem>>) target(%dma_start3A_52 : memref<10240x16xf32, #tpu.memory_space<vmem_shared>>) offsets(%dma_start3A_49 : memref<128xi32, #tpu.memory_space<vmem>>) semaphore(%run_scoped3A : memref<!tpu.dma_semaphore, #tpu.memory_space<semaphore_mem>>) {add = true}
        %dma_wait3A_53 = arith.constant 0 : i32
        %dma_wait3A_54 = tpu.memref_slice %arg9[%add3A_25, %dma_wait3A_53] : memref<80x128xi32, #tpu.memory_space<vmem>> -> memref<1x128xi32, #tpu.memory_space<vmem>>
        %dma_wait3A_55 = tpu.memref_squeeze %dma_wait3A_54 : memref<1x128xi32, #tpu.memory_space<vmem>> -> memref<128xi32, #tpu.memory_space<vmem>>
        %dma_wait3A_56 = arith.constant 0 : i32
        %dma_wait3A_57 = arith.constant 0 : i32
        %dma_wait3A_58 = tpu.memref_slice %arg7[%dma_wait3A_56, %dma_wait3A_57] : memref<10240x16xf32, #tpu.memory_space<vmem_shared>> -> memref<10240x16xf32, #tpu.memory_space<vmem_shared>>
        tpu.wait_indirect_dma semaphore(%run_scoped3A : memref<!tpu.dma_semaphore, #tpu.memory_space<semaphore_mem>>) src(%arg11 : memref<128x16xf32, #tpu.memory_space<vmem>>) dst(%dma_wait3A_58 : memref<10240x16xf32, #tpu.memory_space<vmem_shared>>)
        tpu.yield
      }) : () -> ()
    }
    %scan3A_16 = arith.constant 40 : i32
    %barrier3A_17 = arith.constant 0 : index
    tpu.barrier barrier_id(%barrier3A_17)
    %mul3A_18 = arith.constant 10240 : i32
    %mul3A_19 = arith.muli %arg0, %mul3A_18 : i32
    %add3A_20 = arith.addi %mul3A_19, %mul3A_0 : i32
    "tpu.region"() ({
      %run_scoped3A = tpu.sem_alloc : memref<!tpu.dma_semaphore, #tpu.memory_space<semaphore_mem>>
      %dma_start3A_21 = arith.constant 0 : i32
      %dma_start3A_22 = tpu.memref_slice %arg6[%add3A_20, %dma_start3A_21] : memref<20480x16xf32, #tpu.memory_space<hbm>> -> memref<640x16xf32, #tpu.memory_space<hbm>>
      %dma_start3A_23 = arith.constant 0 : i32
      %dma_start3A_24 = tpu.memref_slice %arg7[%mul3A_0, %dma_start3A_23] : memref<10240x16xf32, #tpu.memory_space<vmem_shared>> -> memref<640x16xf32, #tpu.memory_space<vmem_shared>>
      tpu.enqueue_dma source(%dma_start3A_24 : memref<640x16xf32, #tpu.memory_space<vmem_shared>>) target(%dma_start3A_22 : memref<640x16xf32, #tpu.memory_space<hbm>>) target_semaphore(%run_scoped3A : memref<!tpu.dma_semaphore, #tpu.memory_space<semaphore_mem>>)
      %dma_wait3A = arith.constant 0 : i32
      %dma_wait3A_25 = tpu.memref_slice %arg6[%add3A_20, %dma_wait3A] : memref<20480x16xf32, #tpu.memory_space<hbm>> -> memref<640x16xf32, #tpu.memory_space<hbm>>
      %dma_wait3A_26 = arith.constant 0 : i32
      %dma_wait3A_27 = tpu.memref_slice %arg7[%mul3A_0, %dma_wait3A_26] : memref<10240x16xf32, #tpu.memory_space<vmem_shared>> -> memref<640x16xf32, #tpu.memory_space<vmem_shared>>
      tpu.wait_dma2 semaphore(%run_scoped3A : memref<!tpu.dma_semaphore, #tpu.memory_space<semaphore_mem>>) src(%dma_wait3A_27 : memref<640x16xf32, #tpu.memory_space<vmem_shared>>) dst(%dma_wait3A_25 : memref<640x16xf32, #tpu.memory_space<hbm>>)
      tpu.yield
    }) : () -> ()
    return
  }
}

#map = affine_map<(d0, d1) -> (0, 0)>
#map1 = affine_map<(d0, d1) -> (0, 0, 0)>
module attributes {stable_mosaic.version = 14 : i64} {
  func.func @seg(%arg0: i32, %arg1: i32, %arg2: memref<20480x128xf32, #tpu.memory_space<hbm>>, %arg3: memref<32x80x128xi32, #tpu.memory_space<hbm>>, %arg4: memref<16x80x128xi32, #tpu.memory_space<hbm>>, %arg5: memref<20480x128xf32, #tpu.memory_space<hbm>>, %arg6: memref<20480x128xf32, #tpu.memory_space<hbm>>, %arg7: memref<10240x128xf32, #tpu.memory_space<vmem_shared>>, %arg8: memref<40x128xi32, #tpu.memory_space<vmem>>, %arg9: memref<40x128xi32, #tpu.memory_space<vmem>>, %arg10: memref<128x128xf32, #tpu.memory_space<vmem>>, %arg11: memref<128x128xf32, #tpu.memory_space<vmem>>, %arg12: memref<!tpu.dma_semaphore, #tpu.memory_space<semaphore_mem>>, %arg13: memref<!tpu.dma_semaphore, #tpu.memory_space<semaphore_mem>>) attributes {dimension_semantics = [#tpu.dimension_semantics<core_parallel>, #tpu.dimension_semantics<subcore_parallel>], iteration_bounds = array<i64: 2, 16>, scalar_prefetch = 0 : i64, scratch_operands = 7 : i64, tpu.core_type = #tpu.core_type<sc_vector_subcore>, window_params = [{transform_indices = #map}, {transform_indices = #map1}, {transform_indices = #map1}, {transform_indices = #map}, {transform_indices = #map}]} {
    %mul3A = arith.constant 640 : i32
    %mul3A_0 = arith.muli %arg1, %mul3A : i32
    %mul3A_1 = arith.constant 10240 : i32
    %mul3A_2 = arith.muli %arg0, %mul3A_1 : i32
    %add3A = arith.addi %mul3A_2, %mul3A_0 : i32
    "tpu.region"() ({
      %run_scoped3A = tpu.sem_alloc : memref<!tpu.dma_semaphore, #tpu.memory_space<semaphore_mem>>
      %dma_start3A_37 = arith.constant 0 : i32
      %dma_start3A_38 = tpu.memref_slice %arg7[%mul3A_0, %dma_start3A_37] : memref<10240x128xf32, #tpu.memory_space<vmem_shared>> -> memref<640x128xf32, #tpu.memory_space<vmem_shared>>
      %dma_start3A_39 = arith.constant 0 : i32
      %dma_start3A_40 = tpu.memref_slice %arg5[%add3A, %dma_start3A_39] : memref<20480x128xf32, #tpu.memory_space<hbm>> -> memref<640x128xf32, #tpu.memory_space<hbm>>
      tpu.enqueue_dma source(%dma_start3A_40 : memref<640x128xf32, #tpu.memory_space<hbm>>) target(%dma_start3A_38 : memref<640x128xf32, #tpu.memory_space<vmem_shared>>) target_semaphore(%run_scoped3A : memref<!tpu.dma_semaphore, #tpu.memory_space<semaphore_mem>>)
      %dma_wait3A = arith.constant 0 : i32
      %dma_wait3A_41 = tpu.memref_slice %arg7[%mul3A_0, %dma_wait3A] : memref<10240x128xf32, #tpu.memory_space<vmem_shared>> -> memref<640x128xf32, #tpu.memory_space<vmem_shared>>
      %dma_wait3A_42 = arith.constant 0 : i32
      %dma_wait3A_43 = tpu.memref_slice %arg5[%add3A, %dma_wait3A_42] : memref<20480x128xf32, #tpu.memory_space<hbm>> -> memref<640x128xf32, #tpu.memory_space<hbm>>
      tpu.wait_dma2 semaphore(%run_scoped3A : memref<!tpu.dma_semaphore, #tpu.memory_space<semaphore_mem>>) src(%dma_wait3A_43 : memref<640x128xf32, #tpu.memory_space<hbm>>) dst(%dma_wait3A_41 : memref<640x128xf32, #tpu.memory_space<vmem_shared>>)
      tpu.yield
    }) : () -> ()
    %barrier3A = arith.constant 0 : index
    tpu.barrier barrier_id(%barrier3A)
    %mul3A_3 = arith.constant 16 : i32
    %mul3A_4 = arith.muli %arg0, %mul3A_3 : i32
    %add3A_5 = arith.addi %mul3A_4, %arg1 : i32
    "tpu.region"() ({
      %run_scoped3A = tpu.sem_alloc : memref<!tpu.dma_semaphore, #tpu.memory_space<semaphore_mem>>
      %dma_start3A_37 = arith.constant 0 : i32
      %dma_start3A_38 = arith.constant 0 : i32
      %dma_start3A_39 = tpu.memref_slice %arg3[%add3A_5, %dma_start3A_37, %dma_start3A_38] : memref<32x80x128xi32, #tpu.memory_space<hbm>> -> memref<1x80x128xi32, #tpu.memory_space<hbm>>
      %dma_start3A_40 = tpu.memref_squeeze %dma_start3A_39 : memref<1x80x128xi32, #tpu.memory_space<hbm>> -> memref<80x128xi32, #tpu.memory_space<hbm>>
      %dma_start3A_41 = arith.constant 0 : i32
      %dma_start3A_42 = arith.constant 0 : i32
      %dma_start3A_43 = tpu.memref_slice %dma_start3A_40[%dma_start3A_41, %dma_start3A_42] : memref<80x128xi32, #tpu.memory_space<hbm>> -> memref<40x128xi32, #tpu.memory_space<hbm>>
      %dma_start3A_44 = arith.constant 0 : i32
      %dma_start3A_45 = arith.constant 0 : i32
      %dma_start3A_46 = tpu.memref_slice %arg3[%add3A_5, %dma_start3A_44, %dma_start3A_45] : memref<32x80x128xi32, #tpu.memory_space<hbm>> -> memref<1x80x128xi32, #tpu.memory_space<hbm>>
      %dma_start3A_47 = tpu.memref_squeeze %dma_start3A_46 : memref<1x80x128xi32, #tpu.memory_space<hbm>> -> memref<80x128xi32, #tpu.memory_space<hbm>>
      %dma_start3A_48 = arith.constant 0 : i32
      %dma_start3A_49 = arith.constant 0 : i32
      %dma_start3A_50 = tpu.memref_slice %dma_start3A_47[%dma_start3A_48, %dma_start3A_49] : memref<80x128xi32, #tpu.memory_space<hbm>> -> memref<40x128xi32, #tpu.memory_space<hbm>>
      tpu.enqueue_dma source(%dma_start3A_50 : memref<40x128xi32, #tpu.memory_space<hbm>>) target(%arg8 : memref<40x128xi32, #tpu.memory_space<vmem>>) target_semaphore(%run_scoped3A : memref<!tpu.dma_semaphore, #tpu.memory_space<semaphore_mem>>)
      %dma_wait3A = arith.constant 0 : i32
      %dma_wait3A_51 = arith.constant 0 : i32
      %dma_wait3A_52 = tpu.memref_slice %arg3[%add3A_5, %dma_wait3A, %dma_wait3A_51] : memref<32x80x128xi32, #tpu.memory_space<hbm>> -> memref<1x80x128xi32, #tpu.memory_space<hbm>>
      %dma_wait3A_53 = tpu.memref_squeeze %dma_wait3A_52 : memref<1x80x128xi32, #tpu.memory_space<hbm>> -> memref<80x128xi32, #tpu.memory_space<hbm>>
      %dma_wait3A_54 = arith.constant 0 : i32
      %dma_wait3A_55 = arith.constant 0 : i32
      %dma_wait3A_56 = tpu.memref_slice %dma_wait3A_53[%dma_wait3A_54, %dma_wait3A_55] : memref<80x128xi32, #tpu.memory_space<hbm>> -> memref<40x128xi32, #tpu.memory_space<hbm>>
      %dma_wait3A_57 = arith.constant 0 : i32
      %dma_wait3A_58 = arith.constant 0 : i32
      %dma_wait3A_59 = tpu.memref_slice %arg3[%add3A_5, %dma_wait3A_57, %dma_wait3A_58] : memref<32x80x128xi32, #tpu.memory_space<hbm>> -> memref<1x80x128xi32, #tpu.memory_space<hbm>>
      %dma_wait3A_60 = tpu.memref_squeeze %dma_wait3A_59 : memref<1x80x128xi32, #tpu.memory_space<hbm>> -> memref<80x128xi32, #tpu.memory_space<hbm>>
      %dma_wait3A_61 = arith.constant 0 : i32
      %dma_wait3A_62 = arith.constant 0 : i32
      %dma_wait3A_63 = tpu.memref_slice %dma_wait3A_60[%dma_wait3A_61, %dma_wait3A_62] : memref<80x128xi32, #tpu.memory_space<hbm>> -> memref<40x128xi32, #tpu.memory_space<hbm>>
      tpu.wait_dma2 semaphore(%run_scoped3A : memref<!tpu.dma_semaphore, #tpu.memory_space<semaphore_mem>>) src(%dma_wait3A_63 : memref<40x128xi32, #tpu.memory_space<hbm>>) dst(%arg8 : memref<40x128xi32, #tpu.memory_space<vmem>>)
      tpu.yield
    }) : () -> ()
    "tpu.region"() ({
      %run_scoped3A = tpu.sem_alloc : memref<!tpu.dma_semaphore, #tpu.memory_space<semaphore_mem>>
      %dma_start3A_37 = arith.constant 0 : i32
      %dma_start3A_38 = arith.constant 0 : i32
      %dma_start3A_39 = tpu.memref_slice %arg4[%arg1, %dma_start3A_37, %dma_start3A_38] : memref<16x80x128xi32, #tpu.memory_space<hbm>> -> memref<1x80x128xi32, #tpu.memory_space<hbm>>
      %dma_start3A_40 = tpu.memref_squeeze %dma_start3A_39 : memref<1x80x128xi32, #tpu.memory_space<hbm>> -> memref<80x128xi32, #tpu.memory_space<hbm>>
      %dma_start3A_41 = arith.constant 0 : i32
      %dma_start3A_42 = arith.constant 0 : i32
      %dma_start3A_43 = tpu.memref_slice %dma_start3A_40[%dma_start3A_41, %dma_start3A_42] : memref<80x128xi32, #tpu.memory_space<hbm>> -> memref<40x128xi32, #tpu.memory_space<hbm>>
      %dma_start3A_44 = arith.constant 0 : i32
      %dma_start3A_45 = arith.constant 0 : i32
      %dma_start3A_46 = tpu.memref_slice %arg4[%arg1, %dma_start3A_44, %dma_start3A_45] : memref<16x80x128xi32, #tpu.memory_space<hbm>> -> memref<1x80x128xi32, #tpu.memory_space<hbm>>
      %dma_start3A_47 = tpu.memref_squeeze %dma_start3A_46 : memref<1x80x128xi32, #tpu.memory_space<hbm>> -> memref<80x128xi32, #tpu.memory_space<hbm>>
      %dma_start3A_48 = arith.constant 0 : i32
      %dma_start3A_49 = arith.constant 0 : i32
      %dma_start3A_50 = tpu.memref_slice %dma_start3A_47[%dma_start3A_48, %dma_start3A_49] : memref<80x128xi32, #tpu.memory_space<hbm>> -> memref<40x128xi32, #tpu.memory_space<hbm>>
      tpu.enqueue_dma source(%dma_start3A_50 : memref<40x128xi32, #tpu.memory_space<hbm>>) target(%arg9 : memref<40x128xi32, #tpu.memory_space<vmem>>) target_semaphore(%run_scoped3A : memref<!tpu.dma_semaphore, #tpu.memory_space<semaphore_mem>>)
      %dma_wait3A = arith.constant 0 : i32
      %dma_wait3A_51 = arith.constant 0 : i32
      %dma_wait3A_52 = tpu.memref_slice %arg4[%arg1, %dma_wait3A, %dma_wait3A_51] : memref<16x80x128xi32, #tpu.memory_space<hbm>> -> memref<1x80x128xi32, #tpu.memory_space<hbm>>
      %dma_wait3A_53 = tpu.memref_squeeze %dma_wait3A_52 : memref<1x80x128xi32, #tpu.memory_space<hbm>> -> memref<80x128xi32, #tpu.memory_space<hbm>>
      %dma_wait3A_54 = arith.constant 0 : i32
      %dma_wait3A_55 = arith.constant 0 : i32
      %dma_wait3A_56 = tpu.memref_slice %dma_wait3A_53[%dma_wait3A_54, %dma_wait3A_55] : memref<80x128xi32, #tpu.memory_space<hbm>> -> memref<40x128xi32, #tpu.memory_space<hbm>>
      %dma_wait3A_57 = arith.constant 0 : i32
      %dma_wait3A_58 = arith.constant 0 : i32
      %dma_wait3A_59 = tpu.memref_slice %arg4[%arg1, %dma_wait3A_57, %dma_wait3A_58] : memref<16x80x128xi32, #tpu.memory_space<hbm>> -> memref<1x80x128xi32, #tpu.memory_space<hbm>>
      %dma_wait3A_60 = tpu.memref_squeeze %dma_wait3A_59 : memref<1x80x128xi32, #tpu.memory_space<hbm>> -> memref<80x128xi32, #tpu.memory_space<hbm>>
      %dma_wait3A_61 = arith.constant 0 : i32
      %dma_wait3A_62 = arith.constant 0 : i32
      %dma_wait3A_63 = tpu.memref_slice %dma_wait3A_60[%dma_wait3A_61, %dma_wait3A_62] : memref<80x128xi32, #tpu.memory_space<hbm>> -> memref<40x128xi32, #tpu.memory_space<hbm>>
      tpu.wait_dma2 semaphore(%run_scoped3A : memref<!tpu.dma_semaphore, #tpu.memory_space<semaphore_mem>>) src(%dma_wait3A_63 : memref<40x128xi32, #tpu.memory_space<hbm>>) dst(%arg9 : memref<40x128xi32, #tpu.memory_space<vmem>>)
      tpu.yield
    }) : () -> ()
    %dma_start3A = arith.constant 0 : i32
    %dma_start3A_6 = arith.constant 0 : i32
    %dma_start3A_7 = tpu.memref_slice %arg8[%dma_start3A, %dma_start3A_6] : memref<40x128xi32, #tpu.memory_space<vmem>> -> memref<1x128xi32, #tpu.memory_space<vmem>>
    %dma_start3A_8 = tpu.memref_squeeze %dma_start3A_7 : memref<1x128xi32, #tpu.memory_space<vmem>> -> memref<128xi32, #tpu.memory_space<vmem>>
    %dma_start3A_9 = arith.constant 0 : i32
    %dma_start3A_10 = arith.constant 0 : i32
    %dma_start3A_11 = tpu.memref_slice %arg2[%dma_start3A_9, %dma_start3A_10] : memref<20480x128xf32, #tpu.memory_space<hbm>> -> memref<20480x128xf32, #tpu.memory_space<hbm>>
    tpu.enqueue_indirect_dma source(%dma_start3A_11 : memref<20480x128xf32, #tpu.memory_space<hbm>>) target(%arg10 : memref<128x128xf32, #tpu.memory_space<vmem>>) offsets(%dma_start3A_8 : memref<128xi32, #tpu.memory_space<vmem>>) semaphore(%arg12 : memref<!tpu.dma_semaphore, #tpu.memory_space<semaphore_mem>>)
    %scan3A = arith.constant 0 : i32
    %scan3A_12 = arith.constant 0 : i32
    %scan3A_13 = arith.constant 20 : i32
    %scan3A_14 = arith.addi %scan3A_12, %scan3A_13 : i32
    %scan3A_15 = arith.constant 1 : i32
    scf.for %scan3A_37 = %scan3A_12 to %scan3A_14 step %scan3A_15  : i32 {
      %mul3A_38 = arith.constant 2 : i32
      %mul3A_39 = arith.muli %mul3A_38, %scan3A_37 : i32
      %add3A_40 = arith.constant 1 : i32
      %add3A_41 = arith.addi %mul3A_39, %add3A_40 : i32
      %add3A_42 = arith.constant 2 : i32
      %add3A_43 = arith.addi %mul3A_39, %add3A_42 : i32
      %dma_start3A_44 = arith.constant 0 : i32
      %dma_start3A_45 = tpu.memref_slice %arg8[%add3A_41, %dma_start3A_44] : memref<40x128xi32, #tpu.memory_space<vmem>> -> memref<1x128xi32, #tpu.memory_space<vmem>>
      %dma_start3A_46 = tpu.memref_squeeze %dma_start3A_45 : memref<1x128xi32, #tpu.memory_space<vmem>> -> memref<128xi32, #tpu.memory_space<vmem>>
      %dma_start3A_47 = arith.constant 0 : i32
      %dma_start3A_48 = arith.constant 0 : i32
      %dma_start3A_49 = tpu.memref_slice %arg2[%dma_start3A_47, %dma_start3A_48] : memref<20480x128xf32, #tpu.memory_space<hbm>> -> memref<20480x128xf32, #tpu.memory_space<hbm>>
      tpu.enqueue_indirect_dma source(%dma_start3A_49 : memref<20480x128xf32, #tpu.memory_space<hbm>>) target(%arg11 : memref<128x128xf32, #tpu.memory_space<vmem>>) offsets(%dma_start3A_46 : memref<128xi32, #tpu.memory_space<vmem>>) semaphore(%arg13 : memref<!tpu.dma_semaphore, #tpu.memory_space<semaphore_mem>>)
      %dma_wait3A = arith.constant 0 : i32
      %dma_wait3A_50 = tpu.memref_slice %arg8[%mul3A_39, %dma_wait3A] : memref<40x128xi32, #tpu.memory_space<vmem>> -> memref<1x128xi32, #tpu.memory_space<vmem>>
      %dma_wait3A_51 = tpu.memref_squeeze %dma_wait3A_50 : memref<1x128xi32, #tpu.memory_space<vmem>> -> memref<128xi32, #tpu.memory_space<vmem>>
      %dma_wait3A_52 = arith.constant 0 : i32
      %dma_wait3A_53 = arith.constant 0 : i32
      %dma_wait3A_54 = tpu.memref_slice %arg2[%dma_wait3A_52, %dma_wait3A_53] : memref<20480x128xf32, #tpu.memory_space<hbm>> -> memref<20480x128xf32, #tpu.memory_space<hbm>>
      tpu.wait_indirect_dma semaphore(%arg12 : memref<!tpu.dma_semaphore, #tpu.memory_space<semaphore_mem>>) src(%dma_wait3A_54 : memref<20480x128xf32, #tpu.memory_space<hbm>>) dst(%arg10 : memref<128x128xf32, #tpu.memory_space<vmem>>)
      "tpu.region"() ({
        %run_scoped3A = tpu.sem_alloc : memref<!tpu.dma_semaphore, #tpu.memory_space<semaphore_mem>>
        %dma_start3A_63 = arith.constant 0 : i32
        %dma_start3A_64 = tpu.memref_slice %arg9[%mul3A_39, %dma_start3A_63] : memref<40x128xi32, #tpu.memory_space<vmem>> -> memref<1x128xi32, #tpu.memory_space<vmem>>
        %dma_start3A_65 = tpu.memref_squeeze %dma_start3A_64 : memref<1x128xi32, #tpu.memory_space<vmem>> -> memref<128xi32, #tpu.memory_space<vmem>>
        %dma_start3A_66 = arith.constant 0 : i32
        %dma_start3A_67 = arith.constant 0 : i32
        %dma_start3A_68 = tpu.memref_slice %arg7[%dma_start3A_66, %dma_start3A_67] : memref<10240x128xf32, #tpu.memory_space<vmem_shared>> -> memref<10240x128xf32, #tpu.memory_space<vmem_shared>>
        tpu.enqueue_indirect_dma source(%arg10 : memref<128x128xf32, #tpu.memory_space<vmem>>) target(%dma_start3A_68 : memref<10240x128xf32, #tpu.memory_space<vmem_shared>>) offsets(%dma_start3A_65 : memref<128xi32, #tpu.memory_space<vmem>>) semaphore(%run_scoped3A : memref<!tpu.dma_semaphore, #tpu.memory_space<semaphore_mem>>) {add = true}
        %dma_wait3A_69 = arith.constant 0 : i32
        %dma_wait3A_70 = tpu.memref_slice %arg9[%mul3A_39, %dma_wait3A_69] : memref<40x128xi32, #tpu.memory_space<vmem>> -> memref<1x128xi32, #tpu.memory_space<vmem>>
        %dma_wait3A_71 = tpu.memref_squeeze %dma_wait3A_70 : memref<1x128xi32, #tpu.memory_space<vmem>> -> memref<128xi32, #tpu.memory_space<vmem>>
        %dma_wait3A_72 = arith.constant 0 : i32
        %dma_wait3A_73 = arith.constant 0 : i32
        %dma_wait3A_74 = tpu.memref_slice %arg7[%dma_wait3A_72, %dma_wait3A_73] : memref<10240x128xf32, #tpu.memory_space<vmem_shared>> -> memref<10240x128xf32, #tpu.memory_space<vmem_shared>>
        tpu.wait_indirect_dma semaphore(%run_scoped3A : memref<!tpu.dma_semaphore, #tpu.memory_space<semaphore_mem>>) src(%arg10 : memref<128x128xf32, #tpu.memory_space<vmem>>) dst(%dma_wait3A_74 : memref<10240x128xf32, #tpu.memory_space<vmem_shared>>)
        tpu.yield
      }) : () -> ()
      %lt3A = arith.constant 40 : i32
      %lt3A_55 = arith.cmpi slt, %add3A_43, %lt3A : i32
      %convert_element_type3A = arith.extui %lt3A_55 : i1 to i32
      %cond3A = arith.constant 0 : i32
      %cond3A_56 = arith.cmpi ne, %convert_element_type3A, %cond3A : i32
      scf.if %cond3A_56 {
        %dma_start3A_63 = arith.constant 0 : i32
        %dma_start3A_64 = tpu.memref_slice %arg8[%add3A_43, %dma_start3A_63] : memref<40x128xi32, #tpu.memory_space<vmem>> -> memref<1x128xi32, #tpu.memory_space<vmem>>
        %dma_start3A_65 = tpu.memref_squeeze %dma_start3A_64 : memref<1x128xi32, #tpu.memory_space<vmem>> -> memref<128xi32, #tpu.memory_space<vmem>>
        %dma_start3A_66 = arith.constant 0 : i32
        %dma_start3A_67 = arith.constant 0 : i32
        %dma_start3A_68 = tpu.memref_slice %arg2[%dma_start3A_66, %dma_start3A_67] : memref<20480x128xf32, #tpu.memory_space<hbm>> -> memref<20480x128xf32, #tpu.memory_space<hbm>>
        tpu.enqueue_indirect_dma source(%dma_start3A_68 : memref<20480x128xf32, #tpu.memory_space<hbm>>) target(%arg10 : memref<128x128xf32, #tpu.memory_space<vmem>>) offsets(%dma_start3A_65 : memref<128xi32, #tpu.memory_space<vmem>>) semaphore(%arg12 : memref<!tpu.dma_semaphore, #tpu.memory_space<semaphore_mem>>)
      } else {
      }
      %dma_wait3A_57 = arith.constant 0 : i32
      %dma_wait3A_58 = tpu.memref_slice %arg8[%add3A_41, %dma_wait3A_57] : memref<40x128xi32, #tpu.memory_space<vmem>> -> memref<1x128xi32, #tpu.memory_space<vmem>>
      %dma_wait3A_59 = tpu.memref_squeeze %dma_wait3A_58 : memref<1x128xi32, #tpu.memory_space<vmem>> -> memref<128xi32, #tpu.memory_space<vmem>>
      %dma_wait3A_60 = arith.constant 0 : i32
      %dma_wait3A_61 = arith.constant 0 : i32
      %dma_wait3A_62 = tpu.memref_slice %arg2[%dma_wait3A_60, %dma_wait3A_61] : memref<20480x128xf32, #tpu.memory_space<hbm>> -> memref<20480x128xf32, #tpu.memory_space<hbm>>
      tpu.wait_indirect_dma semaphore(%arg13 : memref<!tpu.dma_semaphore, #tpu.memory_space<semaphore_mem>>) src(%dma_wait3A_62 : memref<20480x128xf32, #tpu.memory_space<hbm>>) dst(%arg11 : memref<128x128xf32, #tpu.memory_space<vmem>>)
      "tpu.region"() ({
        %run_scoped3A = tpu.sem_alloc : memref<!tpu.dma_semaphore, #tpu.memory_space<semaphore_mem>>
        %dma_start3A_63 = arith.constant 0 : i32
        %dma_start3A_64 = tpu.memref_slice %arg9[%add3A_41, %dma_start3A_63] : memref<40x128xi32, #tpu.memory_space<vmem>> -> memref<1x128xi32, #tpu.memory_space<vmem>>
        %dma_start3A_65 = tpu.memref_squeeze %dma_start3A_64 : memref<1x128xi32, #tpu.memory_space<vmem>> -> memref<128xi32, #tpu.memory_space<vmem>>
        %dma_start3A_66 = arith.constant 0 : i32
        %dma_start3A_67 = arith.constant 0 : i32
        %dma_start3A_68 = tpu.memref_slice %arg7[%dma_start3A_66, %dma_start3A_67] : memref<10240x128xf32, #tpu.memory_space<vmem_shared>> -> memref<10240x128xf32, #tpu.memory_space<vmem_shared>>
        tpu.enqueue_indirect_dma source(%arg11 : memref<128x128xf32, #tpu.memory_space<vmem>>) target(%dma_start3A_68 : memref<10240x128xf32, #tpu.memory_space<vmem_shared>>) offsets(%dma_start3A_65 : memref<128xi32, #tpu.memory_space<vmem>>) semaphore(%run_scoped3A : memref<!tpu.dma_semaphore, #tpu.memory_space<semaphore_mem>>) {add = true}
        %dma_wait3A_69 = arith.constant 0 : i32
        %dma_wait3A_70 = tpu.memref_slice %arg9[%add3A_41, %dma_wait3A_69] : memref<40x128xi32, #tpu.memory_space<vmem>> -> memref<1x128xi32, #tpu.memory_space<vmem>>
        %dma_wait3A_71 = tpu.memref_squeeze %dma_wait3A_70 : memref<1x128xi32, #tpu.memory_space<vmem>> -> memref<128xi32, #tpu.memory_space<vmem>>
        %dma_wait3A_72 = arith.constant 0 : i32
        %dma_wait3A_73 = arith.constant 0 : i32
        %dma_wait3A_74 = tpu.memref_slice %arg7[%dma_wait3A_72, %dma_wait3A_73] : memref<10240x128xf32, #tpu.memory_space<vmem_shared>> -> memref<10240x128xf32, #tpu.memory_space<vmem_shared>>
        tpu.wait_indirect_dma semaphore(%run_scoped3A : memref<!tpu.dma_semaphore, #tpu.memory_space<semaphore_mem>>) src(%arg11 : memref<128x128xf32, #tpu.memory_space<vmem>>) dst(%dma_wait3A_74 : memref<10240x128xf32, #tpu.memory_space<vmem_shared>>)
        tpu.yield
      }) : () -> ()
    }
    %scan3A_16 = arith.constant 20 : i32
    %mul3A_17 = arith.constant 16 : i32
    %mul3A_18 = arith.muli %arg0, %mul3A_17 : i32
    %add3A_19 = arith.addi %mul3A_18, %arg1 : i32
    "tpu.region"() ({
      %run_scoped3A = tpu.sem_alloc : memref<!tpu.dma_semaphore, #tpu.memory_space<semaphore_mem>>
      %dma_start3A_37 = arith.constant 0 : i32
      %dma_start3A_38 = arith.constant 0 : i32
      %dma_start3A_39 = tpu.memref_slice %arg3[%add3A_19, %dma_start3A_37, %dma_start3A_38] : memref<32x80x128xi32, #tpu.memory_space<hbm>> -> memref<1x80x128xi32, #tpu.memory_space<hbm>>
      %dma_start3A_40 = tpu.memref_squeeze %dma_start3A_39 : memref<1x80x128xi32, #tpu.memory_space<hbm>> -> memref<80x128xi32, #tpu.memory_space<hbm>>
      %dma_start3A_41 = arith.constant 40 : i32
      %dma_start3A_42 = arith.constant 0 : i32
      %dma_start3A_43 = tpu.memref_slice %dma_start3A_40[%dma_start3A_41, %dma_start3A_42] : memref<80x128xi32, #tpu.memory_space<hbm>> -> memref<40x128xi32, #tpu.memory_space<hbm>>
      %dma_start3A_44 = arith.constant 0 : i32
      %dma_start3A_45 = arith.constant 0 : i32
      %dma_start3A_46 = tpu.memref_slice %arg3[%add3A_19, %dma_start3A_44, %dma_start3A_45] : memref<32x80x128xi32, #tpu.memory_space<hbm>> -> memref<1x80x128xi32, #tpu.memory_space<hbm>>
      %dma_start3A_47 = tpu.memref_squeeze %dma_start3A_46 : memref<1x80x128xi32, #tpu.memory_space<hbm>> -> memref<80x128xi32, #tpu.memory_space<hbm>>
      %dma_start3A_48 = arith.constant 40 : i32
      %dma_start3A_49 = arith.constant 0 : i32
      %dma_start3A_50 = tpu.memref_slice %dma_start3A_47[%dma_start3A_48, %dma_start3A_49] : memref<80x128xi32, #tpu.memory_space<hbm>> -> memref<40x128xi32, #tpu.memory_space<hbm>>
      tpu.enqueue_dma source(%dma_start3A_50 : memref<40x128xi32, #tpu.memory_space<hbm>>) target(%arg8 : memref<40x128xi32, #tpu.memory_space<vmem>>) target_semaphore(%run_scoped3A : memref<!tpu.dma_semaphore, #tpu.memory_space<semaphore_mem>>)
      %dma_wait3A = arith.constant 0 : i32
      %dma_wait3A_51 = arith.constant 0 : i32
      %dma_wait3A_52 = tpu.memref_slice %arg3[%add3A_19, %dma_wait3A, %dma_wait3A_51] : memref<32x80x128xi32, #tpu.memory_space<hbm>> -> memref<1x80x128xi32, #tpu.memory_space<hbm>>
      %dma_wait3A_53 = tpu.memref_squeeze %dma_wait3A_52 : memref<1x80x128xi32, #tpu.memory_space<hbm>> -> memref<80x128xi32, #tpu.memory_space<hbm>>
      %dma_wait3A_54 = arith.constant 40 : i32
      %dma_wait3A_55 = arith.constant 0 : i32
      %dma_wait3A_56 = tpu.memref_slice %dma_wait3A_53[%dma_wait3A_54, %dma_wait3A_55] : memref<80x128xi32, #tpu.memory_space<hbm>> -> memref<40x128xi32, #tpu.memory_space<hbm>>
      %dma_wait3A_57 = arith.constant 0 : i32
      %dma_wait3A_58 = arith.constant 0 : i32
      %dma_wait3A_59 = tpu.memref_slice %arg3[%add3A_19, %dma_wait3A_57, %dma_wait3A_58] : memref<32x80x128xi32, #tpu.memory_space<hbm>> -> memref<1x80x128xi32, #tpu.memory_space<hbm>>
      %dma_wait3A_60 = tpu.memref_squeeze %dma_wait3A_59 : memref<1x80x128xi32, #tpu.memory_space<hbm>> -> memref<80x128xi32, #tpu.memory_space<hbm>>
      %dma_wait3A_61 = arith.constant 40 : i32
      %dma_wait3A_62 = arith.constant 0 : i32
      %dma_wait3A_63 = tpu.memref_slice %dma_wait3A_60[%dma_wait3A_61, %dma_wait3A_62] : memref<80x128xi32, #tpu.memory_space<hbm>> -> memref<40x128xi32, #tpu.memory_space<hbm>>
      tpu.wait_dma2 semaphore(%run_scoped3A : memref<!tpu.dma_semaphore, #tpu.memory_space<semaphore_mem>>) src(%dma_wait3A_63 : memref<40x128xi32, #tpu.memory_space<hbm>>) dst(%arg8 : memref<40x128xi32, #tpu.memory_space<vmem>>)
      tpu.yield
    }) : () -> ()
    "tpu.region"() ({
      %run_scoped3A = tpu.sem_alloc : memref<!tpu.dma_semaphore, #tpu.memory_space<semaphore_mem>>
      %dma_start3A_37 = arith.constant 0 : i32
      %dma_start3A_38 = arith.constant 0 : i32
      %dma_start3A_39 = tpu.memref_slice %arg4[%arg1, %dma_start3A_37, %dma_start3A_38] : memref<16x80x128xi32, #tpu.memory_space<hbm>> -> memref<1x80x128xi32, #tpu.memory_space<hbm>>
      %dma_start3A_40 = tpu.memref_squeeze %dma_start3A_39 : memref<1x80x128xi32, #tpu.memory_space<hbm>> -> memref<80x128xi32, #tpu.memory_space<hbm>>
      %dma_start3A_41 = arith.constant 40 : i32
      %dma_start3A_42 = arith.constant 0 : i32
      %dma_start3A_43 = tpu.memref_slice %dma_start3A_40[%dma_start3A_41, %dma_start3A_42] : memref<80x128xi32, #tpu.memory_space<hbm>> -> memref<40x128xi32, #tpu.memory_space<hbm>>
      %dma_start3A_44 = arith.constant 0 : i32
      %dma_start3A_45 = arith.constant 0 : i32
      %dma_start3A_46 = tpu.memref_slice %arg4[%arg1, %dma_start3A_44, %dma_start3A_45] : memref<16x80x128xi32, #tpu.memory_space<hbm>> -> memref<1x80x128xi32, #tpu.memory_space<hbm>>
      %dma_start3A_47 = tpu.memref_squeeze %dma_start3A_46 : memref<1x80x128xi32, #tpu.memory_space<hbm>> -> memref<80x128xi32, #tpu.memory_space<hbm>>
      %dma_start3A_48 = arith.constant 40 : i32
      %dma_start3A_49 = arith.constant 0 : i32
      %dma_start3A_50 = tpu.memref_slice %dma_start3A_47[%dma_start3A_48, %dma_start3A_49] : memref<80x128xi32, #tpu.memory_space<hbm>> -> memref<40x128xi32, #tpu.memory_space<hbm>>
      tpu.enqueue_dma source(%dma_start3A_50 : memref<40x128xi32, #tpu.memory_space<hbm>>) target(%arg9 : memref<40x128xi32, #tpu.memory_space<vmem>>) target_semaphore(%run_scoped3A : memref<!tpu.dma_semaphore, #tpu.memory_space<semaphore_mem>>)
      %dma_wait3A = arith.constant 0 : i32
      %dma_wait3A_51 = arith.constant 0 : i32
      %dma_wait3A_52 = tpu.memref_slice %arg4[%arg1, %dma_wait3A, %dma_wait3A_51] : memref<16x80x128xi32, #tpu.memory_space<hbm>> -> memref<1x80x128xi32, #tpu.memory_space<hbm>>
      %dma_wait3A_53 = tpu.memref_squeeze %dma_wait3A_52 : memref<1x80x128xi32, #tpu.memory_space<hbm>> -> memref<80x128xi32, #tpu.memory_space<hbm>>
      %dma_wait3A_54 = arith.constant 40 : i32
      %dma_wait3A_55 = arith.constant 0 : i32
      %dma_wait3A_56 = tpu.memref_slice %dma_wait3A_53[%dma_wait3A_54, %dma_wait3A_55] : memref<80x128xi32, #tpu.memory_space<hbm>> -> memref<40x128xi32, #tpu.memory_space<hbm>>
      %dma_wait3A_57 = arith.constant 0 : i32
      %dma_wait3A_58 = arith.constant 0 : i32
      %dma_wait3A_59 = tpu.memref_slice %arg4[%arg1, %dma_wait3A_57, %dma_wait3A_58] : memref<16x80x128xi32, #tpu.memory_space<hbm>> -> memref<1x80x128xi32, #tpu.memory_space<hbm>>
      %dma_wait3A_60 = tpu.memref_squeeze %dma_wait3A_59 : memref<1x80x128xi32, #tpu.memory_space<hbm>> -> memref<80x128xi32, #tpu.memory_space<hbm>>
      %dma_wait3A_61 = arith.constant 40 : i32
      %dma_wait3A_62 = arith.constant 0 : i32
      %dma_wait3A_63 = tpu.memref_slice %dma_wait3A_60[%dma_wait3A_61, %dma_wait3A_62] : memref<80x128xi32, #tpu.memory_space<hbm>> -> memref<40x128xi32, #tpu.memory_space<hbm>>
      tpu.wait_dma2 semaphore(%run_scoped3A : memref<!tpu.dma_semaphore, #tpu.memory_space<semaphore_mem>>) src(%dma_wait3A_63 : memref<40x128xi32, #tpu.memory_space<hbm>>) dst(%arg9 : memref<40x128xi32, #tpu.memory_space<vmem>>)
      tpu.yield
    }) : () -> ()
    %dma_start3A_20 = arith.constant 0 : i32
    %dma_start3A_21 = arith.constant 0 : i32
    %dma_start3A_22 = tpu.memref_slice %arg8[%dma_start3A_20, %dma_start3A_21] : memref<40x128xi32, #tpu.memory_space<vmem>> -> memref<1x128xi32, #tpu.memory_space<vmem>>
    %dma_start3A_23 = tpu.memref_squeeze %dma_start3A_22 : memref<1x128xi32, #tpu.memory_space<vmem>> -> memref<128xi32, #tpu.memory_space<vmem>>
    %dma_start3A_24 = arith.constant 0 : i32
    %dma_start3A_25 = arith.constant 0 : i32
    %dma_start3A_26 = tpu.memref_slice %arg2[%dma_start3A_24, %dma_start3A_25] : memref<20480x128xf32, #tpu.memory_space<hbm>> -> memref<20480x128xf32, #tpu.memory_space<hbm>>
    tpu.enqueue_indirect_dma source(%dma_start3A_26 : memref<20480x128xf32, #tpu.memory_space<hbm>>) target(%arg10 : memref<128x128xf32, #tpu.memory_space<vmem>>) offsets(%dma_start3A_23 : memref<128xi32, #tpu.memory_space<vmem>>) semaphore(%arg12 : memref<!tpu.dma_semaphore, #tpu.memory_space<semaphore_mem>>)
    %scan3A_27 = arith.constant 0 : i32
    %scan3A_28 = arith.constant 0 : i32
    %scan3A_29 = arith.constant 20 : i32
    %scan3A_30 = arith.addi %scan3A_28, %scan3A_29 : i32
    %scan3A_31 = arith.constant 1 : i32
    scf.for %scan3A_37 = %scan3A_28 to %scan3A_30 step %scan3A_31  : i32 {
      %mul3A_38 = arith.constant 2 : i32
      %mul3A_39 = arith.muli %mul3A_38, %scan3A_37 : i32
      %add3A_40 = arith.constant 1 : i32
      %add3A_41 = arith.addi %mul3A_39, %add3A_40 : i32
      %add3A_42 = arith.constant 2 : i32
      %add3A_43 = arith.addi %mul3A_39, %add3A_42 : i32
      %dma_start3A_44 = arith.constant 0 : i32
      %dma_start3A_45 = tpu.memref_slice %arg8[%add3A_41, %dma_start3A_44] : memref<40x128xi32, #tpu.memory_space<vmem>> -> memref<1x128xi32, #tpu.memory_space<vmem>>
      %dma_start3A_46 = tpu.memref_squeeze %dma_start3A_45 : memref<1x128xi32, #tpu.memory_space<vmem>> -> memref<128xi32, #tpu.memory_space<vmem>>
      %dma_start3A_47 = arith.constant 0 : i32
      %dma_start3A_48 = arith.constant 0 : i32
      %dma_start3A_49 = tpu.memref_slice %arg2[%dma_start3A_47, %dma_start3A_48] : memref<20480x128xf32, #tpu.memory_space<hbm>> -> memref<20480x128xf32, #tpu.memory_space<hbm>>
      tpu.enqueue_indirect_dma source(%dma_start3A_49 : memref<20480x128xf32, #tpu.memory_space<hbm>>) target(%arg11 : memref<128x128xf32, #tpu.memory_space<vmem>>) offsets(%dma_start3A_46 : memref<128xi32, #tpu.memory_space<vmem>>) semaphore(%arg13 : memref<!tpu.dma_semaphore, #tpu.memory_space<semaphore_mem>>)
      %dma_wait3A = arith.constant 0 : i32
      %dma_wait3A_50 = tpu.memref_slice %arg8[%mul3A_39, %dma_wait3A] : memref<40x128xi32, #tpu.memory_space<vmem>> -> memref<1x128xi32, #tpu.memory_space<vmem>>
      %dma_wait3A_51 = tpu.memref_squeeze %dma_wait3A_50 : memref<1x128xi32, #tpu.memory_space<vmem>> -> memref<128xi32, #tpu.memory_space<vmem>>
      %dma_wait3A_52 = arith.constant 0 : i32
      %dma_wait3A_53 = arith.constant 0 : i32
      %dma_wait3A_54 = tpu.memref_slice %arg2[%dma_wait3A_52, %dma_wait3A_53] : memref<20480x128xf32, #tpu.memory_space<hbm>> -> memref<20480x128xf32, #tpu.memory_space<hbm>>
      tpu.wait_indirect_dma semaphore(%arg12 : memref<!tpu.dma_semaphore, #tpu.memory_space<semaphore_mem>>) src(%dma_wait3A_54 : memref<20480x128xf32, #tpu.memory_space<hbm>>) dst(%arg10 : memref<128x128xf32, #tpu.memory_space<vmem>>)
      "tpu.region"() ({
        %run_scoped3A = tpu.sem_alloc : memref<!tpu.dma_semaphore, #tpu.memory_space<semaphore_mem>>
        %dma_start3A_63 = arith.constant 0 : i32
        %dma_start3A_64 = tpu.memref_slice %arg9[%mul3A_39, %dma_start3A_63] : memref<40x128xi32, #tpu.memory_space<vmem>> -> memref<1x128xi32, #tpu.memory_space<vmem>>
        %dma_start3A_65 = tpu.memref_squeeze %dma_start3A_64 : memref<1x128xi32, #tpu.memory_space<vmem>> -> memref<128xi32, #tpu.memory_space<vmem>>
        %dma_start3A_66 = arith.constant 0 : i32
        %dma_start3A_67 = arith.constant 0 : i32
        %dma_start3A_68 = tpu.memref_slice %arg7[%dma_start3A_66, %dma_start3A_67] : memref<10240x128xf32, #tpu.memory_space<vmem_shared>> -> memref<10240x128xf32, #tpu.memory_space<vmem_shared>>
        tpu.enqueue_indirect_dma source(%arg10 : memref<128x128xf32, #tpu.memory_space<vmem>>) target(%dma_start3A_68 : memref<10240x128xf32, #tpu.memory_space<vmem_shared>>) offsets(%dma_start3A_65 : memref<128xi32, #tpu.memory_space<vmem>>) semaphore(%run_scoped3A : memref<!tpu.dma_semaphore, #tpu.memory_space<semaphore_mem>>) {add = true}
        %dma_wait3A_69 = arith.constant 0 : i32
        %dma_wait3A_70 = tpu.memref_slice %arg9[%mul3A_39, %dma_wait3A_69] : memref<40x128xi32, #tpu.memory_space<vmem>> -> memref<1x128xi32, #tpu.memory_space<vmem>>
        %dma_wait3A_71 = tpu.memref_squeeze %dma_wait3A_70 : memref<1x128xi32, #tpu.memory_space<vmem>> -> memref<128xi32, #tpu.memory_space<vmem>>
        %dma_wait3A_72 = arith.constant 0 : i32
        %dma_wait3A_73 = arith.constant 0 : i32
        %dma_wait3A_74 = tpu.memref_slice %arg7[%dma_wait3A_72, %dma_wait3A_73] : memref<10240x128xf32, #tpu.memory_space<vmem_shared>> -> memref<10240x128xf32, #tpu.memory_space<vmem_shared>>
        tpu.wait_indirect_dma semaphore(%run_scoped3A : memref<!tpu.dma_semaphore, #tpu.memory_space<semaphore_mem>>) src(%arg10 : memref<128x128xf32, #tpu.memory_space<vmem>>) dst(%dma_wait3A_74 : memref<10240x128xf32, #tpu.memory_space<vmem_shared>>)
        tpu.yield
      }) : () -> ()
      %lt3A = arith.constant 40 : i32
      %lt3A_55 = arith.cmpi slt, %add3A_43, %lt3A : i32
      %convert_element_type3A = arith.extui %lt3A_55 : i1 to i32
      %cond3A = arith.constant 0 : i32
      %cond3A_56 = arith.cmpi ne, %convert_element_type3A, %cond3A : i32
      scf.if %cond3A_56 {
        %dma_start3A_63 = arith.constant 0 : i32
        %dma_start3A_64 = tpu.memref_slice %arg8[%add3A_43, %dma_start3A_63] : memref<40x128xi32, #tpu.memory_space<vmem>> -> memref<1x128xi32, #tpu.memory_space<vmem>>
        %dma_start3A_65 = tpu.memref_squeeze %dma_start3A_64 : memref<1x128xi32, #tpu.memory_space<vmem>> -> memref<128xi32, #tpu.memory_space<vmem>>
        %dma_start3A_66 = arith.constant 0 : i32
        %dma_start3A_67 = arith.constant 0 : i32
        %dma_start3A_68 = tpu.memref_slice %arg2[%dma_start3A_66, %dma_start3A_67] : memref<20480x128xf32, #tpu.memory_space<hbm>> -> memref<20480x128xf32, #tpu.memory_space<hbm>>
        tpu.enqueue_indirect_dma source(%dma_start3A_68 : memref<20480x128xf32, #tpu.memory_space<hbm>>) target(%arg10 : memref<128x128xf32, #tpu.memory_space<vmem>>) offsets(%dma_start3A_65 : memref<128xi32, #tpu.memory_space<vmem>>) semaphore(%arg12 : memref<!tpu.dma_semaphore, #tpu.memory_space<semaphore_mem>>)
      } else {
      }
      %dma_wait3A_57 = arith.constant 0 : i32
      %dma_wait3A_58 = tpu.memref_slice %arg8[%add3A_41, %dma_wait3A_57] : memref<40x128xi32, #tpu.memory_space<vmem>> -> memref<1x128xi32, #tpu.memory_space<vmem>>
      %dma_wait3A_59 = tpu.memref_squeeze %dma_wait3A_58 : memref<1x128xi32, #tpu.memory_space<vmem>> -> memref<128xi32, #tpu.memory_space<vmem>>
      %dma_wait3A_60 = arith.constant 0 : i32
      %dma_wait3A_61 = arith.constant 0 : i32
      %dma_wait3A_62 = tpu.memref_slice %arg2[%dma_wait3A_60, %dma_wait3A_61] : memref<20480x128xf32, #tpu.memory_space<hbm>> -> memref<20480x128xf32, #tpu.memory_space<hbm>>
      tpu.wait_indirect_dma semaphore(%arg13 : memref<!tpu.dma_semaphore, #tpu.memory_space<semaphore_mem>>) src(%dma_wait3A_62 : memref<20480x128xf32, #tpu.memory_space<hbm>>) dst(%arg11 : memref<128x128xf32, #tpu.memory_space<vmem>>)
      "tpu.region"() ({
        %run_scoped3A = tpu.sem_alloc : memref<!tpu.dma_semaphore, #tpu.memory_space<semaphore_mem>>
        %dma_start3A_63 = arith.constant 0 : i32
        %dma_start3A_64 = tpu.memref_slice %arg9[%add3A_41, %dma_start3A_63] : memref<40x128xi32, #tpu.memory_space<vmem>> -> memref<1x128xi32, #tpu.memory_space<vmem>>
        %dma_start3A_65 = tpu.memref_squeeze %dma_start3A_64 : memref<1x128xi32, #tpu.memory_space<vmem>> -> memref<128xi32, #tpu.memory_space<vmem>>
        %dma_start3A_66 = arith.constant 0 : i32
        %dma_start3A_67 = arith.constant 0 : i32
        %dma_start3A_68 = tpu.memref_slice %arg7[%dma_start3A_66, %dma_start3A_67] : memref<10240x128xf32, #tpu.memory_space<vmem_shared>> -> memref<10240x128xf32, #tpu.memory_space<vmem_shared>>
        tpu.enqueue_indirect_dma source(%arg11 : memref<128x128xf32, #tpu.memory_space<vmem>>) target(%dma_start3A_68 : memref<10240x128xf32, #tpu.memory_space<vmem_shared>>) offsets(%dma_start3A_65 : memref<128xi32, #tpu.memory_space<vmem>>) semaphore(%run_scoped3A : memref<!tpu.dma_semaphore, #tpu.memory_space<semaphore_mem>>) {add = true}
        %dma_wait3A_69 = arith.constant 0 : i32
        %dma_wait3A_70 = tpu.memref_slice %arg9[%add3A_41, %dma_wait3A_69] : memref<40x128xi32, #tpu.memory_space<vmem>> -> memref<1x128xi32, #tpu.memory_space<vmem>>
        %dma_wait3A_71 = tpu.memref_squeeze %dma_wait3A_70 : memref<1x128xi32, #tpu.memory_space<vmem>> -> memref<128xi32, #tpu.memory_space<vmem>>
        %dma_wait3A_72 = arith.constant 0 : i32
        %dma_wait3A_73 = arith.constant 0 : i32
        %dma_wait3A_74 = tpu.memref_slice %arg7[%dma_wait3A_72, %dma_wait3A_73] : memref<10240x128xf32, #tpu.memory_space<vmem_shared>> -> memref<10240x128xf32, #tpu.memory_space<vmem_shared>>
        tpu.wait_indirect_dma semaphore(%run_scoped3A : memref<!tpu.dma_semaphore, #tpu.memory_space<semaphore_mem>>) src(%arg11 : memref<128x128xf32, #tpu.memory_space<vmem>>) dst(%dma_wait3A_74 : memref<10240x128xf32, #tpu.memory_space<vmem_shared>>)
        tpu.yield
      }) : () -> ()
    }
    %scan3A_32 = arith.constant 20 : i32
    %barrier3A_33 = arith.constant 0 : index
    tpu.barrier barrier_id(%barrier3A_33)
    %mul3A_34 = arith.constant 10240 : i32
    %mul3A_35 = arith.muli %arg0, %mul3A_34 : i32
    %add3A_36 = arith.addi %mul3A_35, %mul3A_0 : i32
    "tpu.region"() ({
      %run_scoped3A = tpu.sem_alloc : memref<!tpu.dma_semaphore, #tpu.memory_space<semaphore_mem>>
      %dma_start3A_37 = arith.constant 0 : i32
      %dma_start3A_38 = tpu.memref_slice %arg6[%add3A_36, %dma_start3A_37] : memref<20480x128xf32, #tpu.memory_space<hbm>> -> memref<640x128xf32, #tpu.memory_space<hbm>>
      %dma_start3A_39 = arith.constant 0 : i32
      %dma_start3A_40 = tpu.memref_slice %arg7[%mul3A_0, %dma_start3A_39] : memref<10240x128xf32, #tpu.memory_space<vmem_shared>> -> memref<640x128xf32, #tpu.memory_space<vmem_shared>>
      tpu.enqueue_dma source(%dma_start3A_40 : memref<640x128xf32, #tpu.memory_space<vmem_shared>>) target(%dma_start3A_38 : memref<640x128xf32, #tpu.memory_space<hbm>>) target_semaphore(%run_scoped3A : memref<!tpu.dma_semaphore, #tpu.memory_space<semaphore_mem>>)
      %dma_wait3A = arith.constant 0 : i32
      %dma_wait3A_41 = tpu.memref_slice %arg6[%add3A_36, %dma_wait3A] : memref<20480x128xf32, #tpu.memory_space<hbm>> -> memref<640x128xf32, #tpu.memory_space<hbm>>
      %dma_wait3A_42 = arith.constant 0 : i32
      %dma_wait3A_43 = tpu.memref_slice %arg7[%mul3A_0, %dma_wait3A_42] : memref<10240x128xf32, #tpu.memory_space<vmem_shared>> -> memref<640x128xf32, #tpu.memory_space<vmem_shared>>
      tpu.wait_dma2 semaphore(%run_scoped3A : memref<!tpu.dma_semaphore, #tpu.memory_space<semaphore_mem>>) src(%dma_wait3A_43 : memref<640x128xf32, #tpu.memory_space<vmem_shared>>) dst(%dma_wait3A_41 : memref<640x128xf32, #tpu.memory_space<hbm>>)
      tpu.yield
    }) : () -> ()
    return
  }
}

module attributes {stable_mosaic.version = 14 : i64} {
  func.func @_mlp_body(%arg0: i32, %arg1: memref<1024x128xf32, #tpu.memory_space<vmem>>, %arg2: memref<1024x128xf32, #tpu.memory_space<vmem>>, %arg3: memref<128x512xf32, #tpu.memory_space<vmem>>, %arg4: memref<128x512xf32, #tpu.memory_space<vmem>>, %arg5: memref<1x512xf32, #tpu.memory_space<vmem>>, %arg6: memref<512x32xf32, #tpu.memory_space<vmem>>, %arg7: memref<1024x32xf32, #tpu.memory_space<vmem>>) attributes {dimension_semantics = [#tpu.dimension_semantics<arbitrary>], iteration_bounds = array<i64: 10>, scalar_prefetch = 0 : i64, scratch_operands = 0 : i64, tpu.core_type = #tpu.core_type<tc>, window_params = [{transform_indices = @transform_0, window_bounds = array<i64: 1024, 128>}, {transform_indices = @transform_1, window_bounds = array<i64: 1024, 128>}, {transform_indices = @transform_2, window_bounds = array<i64: 128, 512>}, {transform_indices = @transform_3, window_bounds = array<i64: 128, 512>}, {pipeline_mode = #tpu.pipeline_mode<synchronous>, transform_indices = @transform_4, window_bounds = array<i64: 1, 512>}, {pipeline_mode = #tpu.pipeline_mode<synchronous>, transform_indices = @transform_5, window_bounds = array<i64: 512, 32>}, {transform_indices = @transform_6, window_bounds = array<i64: 1024, 32>}]} {
    %get3A = arith.constant 0 : index
    %get3A_0 = arith.constant 0 : index
    %get3A_1 = vector.load %arg1[%get3A, %get3A_0] : memref<1024x128xf32, #tpu.memory_space<vmem>>, vector<1024x128xf32>
    %get3A_2 = arith.constant 0 : index
    %get3A_3 = arith.constant 0 : index
    %get3A_4 = vector.load %arg3[%get3A_2, %get3A_3] : memref<128x512xf32, #tpu.memory_space<vmem>>, vector<128x512xf32>
    %dot_general3A = arith.constant dense<0.000000e+00> : vector<1024x512xf32>
    %dot_general3A_5 = tpu.matmul %get3A_1, %get3A_4, %dot_general3A {dimension_numbers = #tpu.dot_dimension_numbers<[1], [0], [0], [1], [0, 0, 1, 1], [], []>, transpose_lhs_hint = false} : vector<1024x128xf32>, vector<128x512xf32>, vector<1024x512xf32> -> vector<1024x512xf32>
    %get3A_6 = arith.constant 0 : index
    %get3A_7 = arith.constant 0 : index
    %get3A_8 = vector.load %arg2[%get3A_6, %get3A_7] : memref<1024x128xf32, #tpu.memory_space<vmem>>, vector<1024x128xf32>
    %get3A_9 = arith.constant 0 : index
    %get3A_10 = arith.constant 0 : index
    %get3A_11 = vector.load %arg4[%get3A_9, %get3A_10] : memref<128x512xf32, #tpu.memory_space<vmem>>, vector<128x512xf32>
    %dot_general3A_12 = arith.constant dense<0.000000e+00> : vector<1024x512xf32>
    %dot_general3A_13 = tpu.matmul %get3A_8, %get3A_11, %dot_general3A_12 {dimension_numbers = #tpu.dot_dimension_numbers<[1], [0], [0], [1], [0, 0, 1, 1], [], []>, transpose_lhs_hint = false} : vector<1024x128xf32>, vector<128x512xf32>, vector<1024x512xf32> -> vector<1024x512xf32>
    %add3A = arith.addf %dot_general3A_5, %dot_general3A_13 : vector<1024x512xf32>
    %get3A_14 = arith.constant 0 : index
    %get3A_15 = arith.constant 0 : index
    %get3A_16 = vector.load %arg5[%get3A_14, %get3A_15] : memref<1x512xf32, #tpu.memory_space<vmem>>, vector<1x512xf32>
    %add3A_17 = vector.broadcast %get3A_16 : vector<1x512xf32> to vector<1024x512xf32>
    %add3A_18 = arith.addf %add3A, %add3A_17 : vector<1024x512xf32>
    %max3A = arith.constant 0.000000e+00 : f32
    %max3A_19 = vector.broadcast %max3A : f32 to vector<1024x512xf32>
    %max3A_20 = arith.maximumf %add3A_18, %max3A_19 : vector<1024x512xf32>
    %get3A_21 = arith.constant 0 : index
    %get3A_22 = arith.constant 0 : index
    %get3A_23 = vector.load %arg6[%get3A_21, %get3A_22] : memref<512x32xf32, #tpu.memory_space<vmem>>, vector<512x32xf32>
    %dot_general3A_24 = arith.constant dense<0.000000e+00> : vector<1024x32xf32>
    %dot_general3A_25 = tpu.matmul %max3A_20, %get3A_23, %dot_general3A_24 {dimension_numbers = #tpu.dot_dimension_numbers<[1], [0], [0], [1], [0, 0, 1, 1], [], []>, transpose_lhs_hint = false} : vector<1024x512xf32>, vector<512x32xf32>, vector<1024x32xf32> -> vector<1024x32xf32>
    %swap3A = arith.constant 0 : index
    %swap3A_26 = arith.constant 0 : index
    %swap3A_27 = vector.load %arg7[%swap3A, %swap3A_26] : memref<1024x32xf32, #tpu.memory_space<vmem>>, vector<1024x32xf32>
    tpu.vector_store %arg7[%swap3A, %swap3A_26], %dot_general3A_25 {strides = array<i32>} : memref<1024x32xf32, #tpu.memory_space<vmem>>, vector<1024x32xf32>,
    return
  }
  func.func @transform_0(%arg0: i32) -> (i32, i32) {
    %c0_i32 = arith.constant 0 : i32
    %c0_i32_0 = arith.constant 0 : i32
    return %arg0, %c0_i32 : i32, i32
  }
  func.func @transform_1(%arg0: i32) -> (i32, i32) {
    %add3A = arith.constant 10 : i32
    %add3A_0 = arith.addi %arg0, %add3A : i32
    %c0_i32 = arith.constant 0 : i32
    %c0_i32_1 = arith.constant 0 : i32
    return %add3A_0, %c0_i32 : i32, i32
  }
  func.func @transform_2(%arg0: i32) -> (i32, i32) {
    %c0_i32 = arith.constant 0 : i32
    %c0_i32_0 = arith.constant 0 : i32
    %c0_i32_1 = arith.constant 0 : i32
    return %c0_i32, %c0_i32_0 : i32, i32
  }
  func.func @transform_3(%arg0: i32) -> (i32, i32) {
    %c1_i32 = arith.constant 1 : i32
    %c0_i32 = arith.constant 0 : i32
    %c0_i32_0 = arith.constant 0 : i32
    return %c1_i32, %c0_i32 : i32, i32
  }
  func.func @transform_4(%arg0: i32) -> (i32, i32) {
    %c0_i32 = arith.constant 0 : i32
    %c0_i32_0 = arith.constant 0 : i32
    %c0_i32_1 = arith.constant 0 : i32
    return %c0_i32, %c0_i32_0 : i32, i32
  }
  func.func @transform_5(%arg0: i32) -> (i32, i32) {
    %c0_i32 = arith.constant 0 : i32
    %c0_i32_0 = arith.constant 0 : i32
    %c0_i32_1 = arith.constant 0 : i32
    return %c0_i32, %c0_i32_0 : i32, i32
  }
  func.func @transform_6(%arg0: i32) -> (i32, i32) {
    %c0_i32 = arith.constant 0 : i32
    %c0_i32_0 = arith.constant 0 : i32
    return %arg0, %c0_i32 : i32, i32
  }
}

</mosaic_0001>

<sc_bundles>
// kernel: kernel.5.cloned.1.call-start
scs
__scs_entry_jumppad:
0x0: {  	(pc) =	sbr.rel $0x88, $3  }
0x1: {  	(tag) =	ssettag $0x0;
	lr =	simm.s32 $0x1  }
0x2: {  	[smem:$0x3F9B] =	sst lr;
	_ =	strace $0xD0000000  }
0x3: {  	_ = 	snop  }
0x4: {  	_ = 	snop  }
0x5: {  	_ = 	snop  }
0x6: {  	_ = 	snop  }
0x7: {  	_ = 	snop  }
__scs_overlays_trampoline_lowered:
0x8: {  	[smem:$0x3FAA] =	sst s0  }
0x9: {  	[smem:$0x3FAB] =	sst s1  }
0xa: {  	[smem:$0x3FAC] =	sst s2  }
0xb: {  	[smem:$0x3FAD] =	sst s3  }
0xc: {  	[smem:$0x3FAE] =	sst s4  }
0xd: {  	[smem:$0x3FAF] =	sst s5  }
0xe: {  	[smem:$0x3FB0] =	sst s6  }
0xf: {  	[smem:$0x3FB1] =	sst s7  }
0x10: {  	[smem:$0x3FB2] =	sst s8  }
0x11: {  	[smem:$0x3FB3] =	sst s9;
	s0 =	simm.s32 @!p0 $0x0  }
0x12: {  	s1 =	sld [smem:$0x3F99];
	s0 =	simm.s32 @p0 $0x1  }
0x13: {  	[smem:$0x3FB4] =	sst s0;
	s0 =	simm.s32 @!p1 $0x0  }
0x14: {  	s2 =	sld [smem:$0x3F98];
	s0 =	simm.s32 @p1 $0x1  }
0x15: {  	[smem:$0x3FB5] =	sst s0;
	s0 =	simm.s32 @!p2 $0x0  }
0x16: {  	s3 =	sld [smem:$0x3FDB];
	s0 =	simm.s32 @p2 $0x1  }
0x17: {  	s4 =	simm.s32 $0x1BF5;
	[smem:$0x3FB7] =	sst s0  }
0x18: {  	s0 =	sld [smem:$0x3F9A];
	_ =	swait.ge [sflag:s4], $0x0  }
0x19: {  	s7 =	sld [smem:$0x3F9B]  }
0x1a: {  	s8 =	sadd.s32 $0xFFFFE003, lr  }
0x1b: {  	s9 =	sadd.s32 $0xFFFFFEF7, lr;
	s5 =	simm.s32 $0xFFFFFFFF;
	p2 =	slt.u32 s8, $0xFFFFF086  }
0x1c: {  	p1 =	slt.u32 s9, $0xF7A;
	s5 =	simm.s32 @!p2 $0x0  }
0x1d: {  	s5 =	simm.s32 @p1 $0x1;
	p0 =	seq.s32 s7, s2  }
0x1e: {  	s7 =	smul.u32 @!p0 $0xF7A, s2;
	p2 =	seq.s32 @!p0 s5, $0x0  }
0x1f: {  	s9 =	smul.u32 $0xF7A, s1;
	s8 =	simm.s32 @!p0 $0x1BF5;
	p2 =	por !p2, p0  }
0x20: {  	[sflag:s8] =	ssyncset.s32 @!p0 $0xFFFFF086;
	s6 =	sadd.s32 @!p0 s3, s7;
	s7 =	simm.s32 @!p0 $0x108  }
0x21: {  	s3 =	sadd.s32 s3, s9;
	s6 =	sadd.s32 @!p0 $0x88, s6;
	s7 =	simm.s32 @p2 $0x1082  }
0x22: {  	[simem:s7], [sflag:s8] =	dma.local @!p0 [hbm:s6], $0xF7A  }
0x23: {  	s9 =	sor.u32 $0xD0000000, s2;
	s6 =	simm.s32 $0x108;
	_ =	swait.ge @!p0 [sflag:s8], $0x0  }
0x24: {  	s3 =	sadd.s32 $0x88, s3;
	s6 =	simm.s32 @!p1 $0x1082;
	[sflag:s4] =	ssyncset.s32 $0xFFFFF086  }
0x25: {  	[simem:s6], [sflag:s4] =	dma.local [hbm:s3], $0xF7A  }
0x26: {  	[smem:$0x3F9B] =	sst s1;
	(tag) =	ssettag s2;
	_ =	strace s9  }
0x27: {  	s1 =	sld [smem:$0x3FAB]  }
0x28: {  	s2 =	sld [smem:$0x3FAC]  }
0x29: {  	s4 =	sld [smem:$0x3FAE]  }
0x2a: {  	p0 =	seq.s32 s5, $0x0;
	s5 =	sld [smem:$0x3FAF]  }
0x2b: {  	s6 =	sld [smem:$0x3FB0]  }
0x2c: {  	s7 =	sld [smem:$0x3FB1]  }
0x2d: {  	s3 =	simm.s32 $0x108;
	s8 =	sld [smem:$0x3FB2]  }
0x2e: {  	s3 =	simm.s32 @!p0 $0x1082;
	s9 =	sld [smem:$0x3FB3]  }
0x2f: {  	lr =	sadd.s32 s0, s3;
	s0 =	sld [smem:$0x3FAA]  }
0x30: {  	s3 =	sld [smem:$0x3FAD]  }
0x31: {  	[smem:$0x3FB6] =	sst s10  }
0x32: {  	s10 =	sld [smem:$0x3FB4];
	_ =	sdelay $0x3  }
0x33: {  	p0 =	seq.s32 s10, $0x1;
	s10 =	sld [smem:$0x3FB6];
	_ =	sdelay $0x3  }
0x34: {  	[smem:$0x3FB6] =	sst s10  }
0x35: {  	s10 =	sld [smem:$0x3FB5];
	_ =	sdelay $0x3  }
0x36: {  	p1 =	seq.s32 s10, $0x1;
	s10 =	sld [smem:$0x3FB6];
	_ =	sdelay $0x3  }
0x37: {  	[smem:$0x3FB6] =	sst s10  }
0x38: {  	s10 =	sld [smem:$0x3FB7]  }
0x39: {  	_ = 	snop;
	(pc) =	sbr.ind lr, $3  }
0x3a: {  	_ = 	snop  }
0x3b: {  	_ = 	snop  }
0x3c: {  	p2 =	seq.s32 s10, $0x1;
	s10 =	sld [smem:$0x3FB6]  }
0x3d: {  	_ =	shalt  }
0x3e: {  	_ =	shalt  }
0x3f: {  	_ =	shalt  }
0x40: {  	_ =	shalt  }
0x41: {  	_ =	shalt  }
0x42: {  	_ =	shalt  }
0x43: {  	_ =	shalt  }
0x44: {  	_ =	shalt  }
0x45: {  	_ =	shalt  }
0x46: {  	_ =	shalt  }
0x47: {  	_ =	shalt  }
0x48: {  	_ =	shalt  }
0x49: {  	_ =	shalt  }
0x4a: {  	_ =	shalt  }
0x4b: {  	_ =	shalt  }
0x4c: {  	_ =	shalt  }
0x4d: {  	_ =	shalt  }
0x4e: {  	_ =	shalt  }
0x4f: {  	_ =	shalt  }
0x50: {  	_ =	shalt  }
0x51: {  	_ =	shalt  }
0x52: {  	_ =	shalt  }
0x53: {  	_ =	shalt  }
0x54: {  	_ =	shalt  }
0x55: {  	_ =	shalt  }
0x56: {  	_ =	shalt  }
0x57: {  	_ =	shalt  }
0x58: {  	_ =	shalt  }
0x59: {  	_ =	shalt  }
0x5a: {  	_ =	shalt  }
0x5b: {  	_ =	shalt  }
0x5c: {  	_ =	shalt  }
0x5d: {  	_ =	shalt  }
0x5e: {  	_ =	shalt  }
0x5f: {  	_ =	shalt  }
0x60: {  	_ =	shalt  }
0x61: {  	_ =	shalt  }
0x62: {  	_ =	shalt  }
0x63: {  	_ =	shalt  }
0x64: {  	_ =	shalt  }
0x65: {  	_ =	shalt  }
0x66: {  	_ =	shalt  }
0x67: {  	_ =	shalt  }
0x68: {  	_ =	shalt  }
0x69: {  	_ =	shalt  }
0x6a: {  	_ =	shalt  }
0x6b: {  	_ =	shalt  }
0x6c: {  	_ =	shalt  }
0x6d: {  	_ =	shalt  }
0x6e: {  	_ =	shalt  }
0x6f: {  	_ =	shalt  }
0x70: {  	_ =	shalt  }
0x71: {  	_ =	shalt  }
0x72: {  	_ =	shalt  }
0x73: {  	_ =	shalt  }
0x74: {  	_ =	shalt  }
0x75: {  	_ =	shalt  }
0x76: {  	_ =	shalt  }
0x77: {  	_ =	shalt  }
0x78: {  	_ =	shalt  }
0x79: {  	_ =	shalt  }
0x7a: {  	_ =	shalt  }
0x7b: {  	_ =	shalt  }
0x7c: {  	_ =	shalt  }
0x7d: {  	_ =	shalt  }
0x7e: {  	_ =	shalt  }
0x7f: {  	_ =	shalt  }
0x80: {  	_ =	shalt  }
0x81: {  	_ =	shalt  }
0x82: {  	_ =	shalt  }
0x83: {  	_ =	shalt  }
0x84: {  	_ =	shalt  }
0x85: {  	_ =	shalt  }
0x86: {  	_ =	shalt  }
0x87: {  	_ =	shalt  }
.Lfunc_end0:
.L_simem_size_0:
called_computation_lowered:
.L_overlay_start_0:
0x88: {  	s2 =	sld [smem:$0x3FD9]  }
0x89: {  	s3 =	sld [smem:$0x3FFE];
	_ =	sdelay $0x1  }
0x8a: {  	s1 =	srdreg.scid  }
0x8b: {  	s0 =	sand.u32 $0x1, s1  }
0x8c: {  	s17 =	sshll.u32 s0, $0xA;
	s2 =	sadd.s32 s3, s2  }
0x8d: {  	s2 =	sadd.s32 s2, s17  }
0x8e: {  	[smem:$0x3FC2] =	sst s2  }
0x8f: {  	_ = 	snop  }
0x90: {  	s2 =	sld [smem:$0x3FD0];
	(tm) =	ssettm $0x1  }
0x91: {  	s18 =	sld [smem:$0x3FFB];
	_ =	sdelay $0x3  }
0x92: {  	_ =	strace s18  }
0x93: {  	s3 =	sld [smem:$0x3FFC];
	_ =	sdelay $0x3  }
0x94: {  	_ =	strace s3  }
0x95: {  	s3 =	sld [smem:$0x3FFD];
	_ =	sdelay $0x3  }
0x96: {  	_ =	strace s3  }
0x97: {  	_ =	strace $0x8FFFFFFF  }
0x98: {  	s19 =	sld [smem:$0x3FDB];
	_ =	sdelay $0x1  }
0x99: {  	s4 =	simm.s32 $_scs_section_size  }
0x9a: {  	s5 =	simm.s32 $_size__tile_overlayer_lowered;
	s6 =	simm.s32 $_tile_overlayer_lowered  }
0x9b: {  	s22 =	simm.s32 $0x1BFF;
	s21 =	sshll.u32 s6, $0x1;
	s3 =	sadd.s32 s4, s19  }
0x9c: {  	s7 =	simm.s32 $0x0;
	s20 =	sshll.u32 s5, $0x1;
	s5 =	sadd.s32 s21, s3  }
0x9d: {  	[timem:s7], [sflag:s22] =	dma.local [hbm:s5], s20  }
0x9e: {  	_ =	swait.ge [sflag:s22], s20  }
0x9f: {  	s4 =	ssub.s32 $0x0, s20;
	[sflag:s22] =	ssyncset.done $0x0  }
0xa0: {  	[sflag:s22] =	ssyncadd.s32 s4;
	_ =	sdelay $0x1  }
0xa1: {  	s23 =	simm.s32 $0x1B8B  }
0xa2: {  	_ =	swait.ge [sflag:s23], $0x1  }
0xa3: {  	[sflag:s23] =	ssyncset.done $0x0  }
0xa4: {  	s25 =	simm.s32 $0x1B8E;
	s24 =	sld [smem:$0x3FFE];
	[sflag:s23] =	ssyncadd.s32 $0xFFFFFFFF  }
0xa5: {  	s26 =	simm.s32 $execute0_lowered;
	[smem:$0x3FD2] =	sst s25  }
0xa6: {  	s5 =	sshll.u32 s26, $0x1;
	_ =	strace $0x80000046;
	[dreg:$0x1] =	wrdreg $0xFFFFFFFF  }
0xa7: {  	s28 =	simm.s32 $_size_execute0_lowered;
	s3 =	sadd.s32 s3, s5;
	[dreg:$0x0] =	wrdreg $0x0  }
0xa8: {  	s5 =	sshll.u32 s28, $0x1;
	[dreg:$0x2] =	wrdreg s3  }
0xa9: {  	[dreg:$0x3] =	wrdreg s5  }
0xaa: {  	[dreg:$0x4] =	wrdreg $0xC0  }
0xab: {  	_ =	task [dreg:s7], $0x5FFFF  }
0xac: {  	[dreg:$0x1] =	wrdreg $0xFFFFFFFF  }
0xad: {  	[dreg:$0x0] =	wrdreg $0x60  }
0xae: {  	[dreg:$0x2] =	wrdreg s24  }
0xaf: {  	[dreg:$0x3] =	wrdreg s2  }
0xb0: {  	[dreg:$0x4] =	wrdreg $0x0  }
0xb1: {  	[dreg:$0x5] =	wrdreg $0x9  }
0xb2: {  	_ =	task.clear_ibuf [dreg:s7], $0x6FFFF;
	_ =	strace $0x90000046  }
0xb3: {  	s29 =	simm.s32 $0x9;
	_ =	strace $0x80000048  }
0xb4: {  	_ =	swait.ge [sflag:s29], $0x1  }
0xb5: {  	[sflag:s29] =	ssyncadd.s32 $0xFFFFFFFF  }
0xb6: {  	_ =	strace $0x90000048  }
0xb7: {  	_ =	sfence  }
0xb8: {  	s30 =	sld [smem:$0x0];
	_ =	sdelay $0x2  }
0xb9: {  	s31 =	sshll.u32 s1, $0xD;
	s1 =	sshrl.u32 s1, $0x2  }
0xba: {  	s3 =	sand.u32 $0x4000, s31;
	s1 =	sadd.s32 s1, s30  }
0xbb: {  	s0 =	sor.u32 s3, s0;
	s1 =	sshll.u32 s1, $0x11  }
0xbc: {  	s0 =	sor.u32 s1, s0  }
0xbd: {  	s0 =	sadd.s32 $0x8F2B, s0  }
0xbe: {  	[sflag:s0] =	ssyncadd.remote.s32 $0x1  }
0xbf: {  	_ =	sfence.sel $0xFFFF  }
0xc0: {  	[dreg:$0x0] =	wrdreg $0xFFFFFFFF;
	(pc) =	sbr.abs _section_cstart, $3  }
0xc1: {  	[dreg:$0x1] =	wrdreg $0xFFFFFFFF  }
0xc2: {  	_ =	task.clear_ibuf [dreg:s7], $0x2FFFF;
	_ =	strace $0x9FFFFFFF  }
0xc3: {  	(tm) =	ssettm $0x7FFFFFFF  }
tec
execute0_lowered:
.L_overlay_start_1:
0x0: {  	(tag) =	ssettag $0x1  }
0x1: {  	s5 =	rddreg [dreg:$0x0]  }
0x2: {  	s8 =	rddreg [dreg:$0x1]  }
0x3: {  	s1 =	rddreg [dreg:$0x2];
	s2 =	srdreg.scid  }
0x4: {  	s0 =	rddreg [dreg:$0x3];
	s3 =	simm.s32 $0x0;
	s14 =	simm.s32 $0x15400  }
0x5: {  	s15 =	simm.s32 $0x80;
	s16 =	simm.s32 $0x16800;
	s17 =	simm.s32 $0x1A800  }
0x6: {  	s18 =	simm.s32 $0x1;
	s19 =	simm.s32 $0x2;
	s20 =	simm.s32 $0x15380  }
0x7: {  	s21 =	simm.s32 $0x16700;
	s22 =	simm.s32 $0x16780;
	s6 =	sand.u32 $0x1, s2  }
0x8: {  	s25 =	simm.s32 $0x0;
	s2 =	stileid.u32;
	s7 =	smul.u32 $0x2800, s6  }
0x9: {  	[smem:$0x7FF] =	sst s3;
	s4 =	sshll.u32 s6, $0x4;
	s10 =	smul.u32 $0x280, s2  }
0xa: {  	_ =	strace $0x80000047;
	s6 =	ssub.s32 $0x2, s6;
	s28 =	smul.u32 $0x50000, s2  }
0xb: {  	s30 =	sshll.u32 s2, $0x6;
	s31 =	smul.u32 $0x500, s2;
	s9 =	sor.u32 s2, s4  }
0xc: {  	s4 =	sadd.s32 $0xB800, s5;
	s11 =	sshrl.u32 s6, $0x1;
	s9 =	smul.u32 $0x500, s9  }
0xd: {  	s7 =	sadd.s32 s10, s7;
	s11 =	ssub.s32 s6, s11;
	s29 =	sshrl.u32 s28, $0x2  }
0xe: {  	s6 =	sor.u32 $0x1C03, s30;
	s8 =	sadd.s32 s8, s31;
	s7 =	sshll.u32 s7, $0x4  }
0xf: {  	s13 =	sadd.s32 s29, s1;
	s10 =	smax.u32 s11, $0x1;
	s24 =	sadd.s32 $0x280, s8  }
0x10: {  	s9 =	sadd.s32 s9, s5;
	s12 =	sadd.s32 s7, s5;
	s11 =	sshrl.u32 s13, $0x3  }
0x11: {  	s13 =	simm.s32 $0x14000;
	s5 =	sadd.s32 $0x5B800, s12;
	s7 =	sadd.s32 $0x1800, s9  }
0x12: {  	s9 =	sadd.s32 $0xAB800, s12;
	s12 =	simm.s32 $0x3;
	s23 =	sadd.s32 $0x280, s7  }
.LBB2_1:
0x13: {  	[spmem:s11], [sflag:s6] =	dma.local [hbm:s5], $0x2800  }
0x14: {  	_ =	swait.ge [sflag:s12], $0x2800  }
0x15: {  	[sflag:s12] =	ssyncset.done $0x0  }
0x16: {  	[sflag:s12] =	ssyncadd.s32 $0xFFFFD800  }
0x17: {  	[bflag:$0x0] =	sbarrier.arrive $0xFFFF  }
0x18: {  	[tilespmem:s13], [sflag:$0x3] =	stream.linear.gather [hbm4b:s7+s3], $0x1400, $0x38;
	[tilespmem:$0x1E800] =	vst v63  }
0x19: {  	_ =	swait.ge [sflag:s12], $0x1400  }
0x1a: {  	[sflag:s12] =	ssyncset.done $0x0  }
0x1b: {  	[sflag:s12] =	ssyncadd.s32 $0xFFFFEC00  }
0x1c: {  	[tilespmem:s14], [sflag:$0x3] =	stream.linear.gather [hbm4b:s8+s3], $0x1400, $0x38;
	[tilespmem:$0x1E800] =	vst v63  }
0x1d: {  	_ =	swait.ge [sflag:s12], $0x1400  }
0x1e: {  	[sflag:s12] =	ssyncset.done $0x0  }
0x1f: {  	[sflag:s12] =	ssyncadd.s32 $0xFFFFEC00  }
0x20: {  	[tilespmem:s16], [sflag:$0x1] =	stream.indirect.gather [hbm4b:s4+s15], $0x80, s13, s15, $0xb8;
	[tilespmem:$0x1E800] =	vst v63  }
0x21: {  	s26 =	simm.s32 $0x14080  }
0x22: {  	[tilespmem:s17], [sflag:$0x2] =	stream.indirect.gather [hbm4b:s4+s15], $0x80, s26, s15, $0xb8;
	[tilespmem:$0x1E800] =	vst v63  }
0x23: {  	_ =	swait.ge [sflag:s18], $0x4000  }
0x24: {  	[sflag:s18] =	ssyncset.done $0x0  }
0x25: {  	s29 =	simm.s32 $0x15400;
	[sflag:s18] =	ssyncadd.s32 $0xFFFFC000  }
0x26: {  	[spmem:s1] =	stream.indirect.scatter.add.f32 [tilespmem:s16], [sflag:$0x3], $0x80, s29, s15, $0xb8;
	[tilespmem:$0x1E800] =	vst v63  }
0x27: {  	_ =	swait.ge [sflag:s12], $0x4000  }
0x28: {  	[sflag:s12] =	ssyncset.done $0x0  }
0x29: {  	s30 =	simm.s32 $0x14100;
	[sflag:s12] =	ssyncadd.s32 $0xFFFFC000  }
0x2a: {  	[tilespmem:s16], [sflag:$0x1] =	stream.indirect.gather [hbm4b:s4+s15], $0x80, s30, s15, $0xb8;
	[tilespmem:$0x1E800] =	vst v63  }
0x2b: {  	_ =	swait.ge [sflag:s19], $0x4000  }
0x2c: {  	[sflag:s19] =	ssyncset.done $0x0  }
0x2d: {  	s31 =	simm.s32 $0x15480;
	[sflag:s19] =	ssyncadd.s32 $0xFFFFC000  }
0x2e: {  	[spmem:s1] =	stream.indirect.scatter.add.f32 [tilespmem:s17], [sflag:$0x3], $0x80, s31, s15, $0xb8;
	[tilespmem:$0x1E800] =	vst v63  }
0x2f: {  	_ =	swait.ge [sflag:s12], $0x4000  }
0x30: {  	s28 =	simm.s32 $0x800;
	s26 =	simm.s32 $0x100;
	[sflag:s12] =	ssyncset.done $0x0  }
.LBB2_2:
0x31: {  	s29 =	sadd.s32 $0x14080, s26  }
0x32: {  	[sflag:s12] =	ssyncadd.s32 $0xFFFFC000;
	s30 =	smov.u32 s28;
	s31 =	sadd.s32 $0x400, s28  }
0x33: {  	[tilespmem:s17], [sflag:$0x2] =	stream.indirect.gather [hbm4b:s4+s15], $0x80, s29, s15, $0xb8;
	[tilespmem:$0x1E800] =	vst v63  }
0x34: {  	p0 =	sne.s32 s28, $0x4800;
	_ =	swait.ge [sflag:s18], $0x4000  }
0x35: {  	[sflag:s18] =	ssyncset.done $0x0  }
0x36: {  	s28 =	sadd.s32 $0x15400, s26;
	[sflag:s18] =	ssyncadd.s32 $0xFFFFC000  }
0x37: {  	[spmem:s1] =	stream.indirect.scatter.add.f32 [tilespmem:s16], [sflag:$0x3], $0x80, s28, s15, $0xb8;
	[tilespmem:$0x1E800] =	vst v63  }
0x38: {  	_ =	swait.ge [sflag:s12], $0x4000  }
0x39: {  	[sflag:s12] =	ssyncset.done $0x0  }
0x3a: {  	s28 =	sadd.s32 $0x14100, s26;
	[sflag:s12] =	ssyncadd.s32 $0xFFFFC000  }
0x3b: {  	[tilespmem:s16], [sflag:$0x1] =	stream.indirect.gather [hbm4b:s4+s15], $0x80, s28, s15, $0xb8;
	[tilespmem:$0x1E800] =	vst v63  }
0x3c: {  	_ =	swait.ge [sflag:s19], $0x4000  }
.Ltmp0:
0x3d: {  	[sflag:s19] =	ssyncset.done $0x0;
	(pc) =	sbr.rel @p0 .LBB2_2-.Ltmp0, $4  }
0x3e: {  	s26 =	sadd.s32 $0x15480, s26;
	[sflag:s19] =	ssyncadd.s32 $0xFFFFC000  }
0x3f: {  	[spmem:s1] =	stream.indirect.scatter.add.f32 [tilespmem:s17], [sflag:$0x3], $0x80, s26, s15, $0xb8;
	[tilespmem:$0x1E800] =	vst v63  }
0x40: {  	_ =	swait.ge [sflag:s12], $0x4000  }
0x41: {  	s28 =	smov.u32 s31;
	s26 =	sshra.s32 s30, $0x2;
	[sflag:s12] =	ssyncset.done $0x0  }
0x42: {  	s28 =	sadd.s32 $0x14080, s26;
	[sflag:s12] =	ssyncadd.s32 $0xFFFFC000  }
0x43: {  	[tilespmem:s17], [sflag:$0x2] =	stream.indirect.gather [hbm4b:s4+s15], $0x80, s28, s15, $0xb8;
	[tilespmem:$0x1E800] =	vst v63  }
0x44: {  	_ =	swait.ge [sflag:s18], $0x4000  }
0x45: {  	[sflag:s18] =	ssyncset.done $0x0  }
0x46: {  	s28 =	sadd.s32 $0x15400, s26;
	[sflag:s18] =	ssyncadd.s32 $0xFFFFC000  }
0x47: {  	[spmem:s1] =	stream.indirect.scatter.add.f32 [tilespmem:s16], [sflag:$0x3], $0x80, s28, s15, $0xb8;
	[tilespmem:$0x1E800] =	vst v63  }
0x48: {  	_ =	swait.ge [sflag:s12], $0x4000  }
0x49: {  	[sflag:s12] =	ssyncset.done $0x0  }
0x4a: {  	s28 =	sadd.s32 $0x14100, s26;
	[sflag:s12] =	ssyncadd.s32 $0xFFFFC000  }
0x4b: {  	[tilespmem:s16], [sflag:$0x1] =	stream.indirect.gather [hbm4b:s4+s15], $0x80, s28, s15, $0xb8;
	[tilespmem:$0x1E800] =	vst v63  }
0x4c: {  	_ =	swait.ge [sflag:s19], $0x4000  }
0x4d: {  	[sflag:s19] =	ssyncset.done $0x0  }
0x4e: {  	s29 =	sadd.s32 $0x15480, s26;
	[sflag:s19] =	ssyncadd.s32 $0xFFFFC000  }
0x4f: {  	[spmem:s1] =	stream.indirect.scatter.add.f32 [tilespmem:s17], [sflag:$0x3], $0x80, s29, s15, $0xb8;
	[tilespmem:$0x1E800] =	vst v63  }
0x50: {  	_ =	swait.ge [sflag:s12], $0x4000  }
0x51: {  	[sflag:s12] =	ssyncset.done $0x0  }
0x52: {  	[sflag:s12] =	ssyncadd.s32 $0xFFFFC000  }
0x53: {  	[tilespmem:s17], [sflag:$0x2] =	stream.indirect.gather [hbm4b:s4+s15], $0x80, s20, s15, $0xb8;
	[tilespmem:$0x1E800] =	vst v63  }
0x54: {  	_ =	swait.ge [sflag:s18], $0x4000  }
0x55: {  	[sflag:s18] =	ssyncset.done $0x0  }
0x56: {  	[sflag:s18] =	ssyncadd.s32 $0xFFFFC000  }
0x57: {  	[spmem:s1] =	stream.indirect.scatter.add.f32 [tilespmem:s16], [sflag:$0x3], $0x80, s21, s15, $0xb8;
	[tilespmem:$0x1E800] =	vst v63  }
0x58: {  	_ =	swait.ge [sflag:s12], $0x4000  }
0x59: {  	[sflag:s12] =	ssyncset.done $0x0  }
0x5a: {  	[sflag:s12] =	ssyncadd.s32 $0xFFFFC000  }
0x5b: {  	_ =	swait.ge [sflag:s19], $0x4000  }
0x5c: {  	[sflag:s19] =	ssyncset.done $0x0  }
0x5d: {  	[sflag:s19] =	ssyncadd.s32 $0xFFFFC000  }
0x5e: {  	[spmem:s1] =	stream.indirect.scatter.add.f32 [tilespmem:s17], [sflag:$0x3], $0x80, s22, s15, $0xb8;
	[tilespmem:$0x1E800] =	vst v63  }
0x5f: {  	_ =	swait.ge [sflag:s12], $0x4000  }
0x60: {  	[sflag:s12] =	ssyncset.done $0x0  }
0x61: {  	s30 =	simm.s32 $0x0;
	[sflag:s12] =	ssyncadd.s32 $0xFFFFC000  }
0x62: {  	[tilespmem:s13], [sflag:$0x3] =	stream.linear.gather [hbm4b:s23+s30], $0x1400, $0x38;
	[tilespmem:$0x1E800] =	vst v63  }
0x63: {  	_ =	swait.ge [sflag:s12], $0x1400  }
0x64: {  	[sflag:s12] =	ssyncset.done $0x0  }
0x65: {  	[sflag:s12] =	ssyncadd.s32 $0xFFFFEC00  }
0x66: {  	[tilespmem:s14], [sflag:$0x3] =	stream.linear.gather [hbm4b:s24+s30], $0x1400, $0x38;
	[tilespmem:$0x1E800] =	vst v63  }
0x67: {  	_ =	swait.ge [sflag:s12], $0x1400  }
0x68: {  	[sflag:s12] =	ssyncset.done $0x0  }
0x69: {  	[sflag:s12] =	ssyncadd.s32 $0xFFFFEC00  }
0x6a: {  	[tilespmem:s16], [sflag:$0x1] =	stream.indirect.gather [hbm4b:s4+s15], $0x80, s13, s15, $0xb8;
	[tilespmem:$0x1E800] =	vst v63  }
0x6b: {  	s31 =	simm.s32 $0x14080  }
0x6c: {  	[tilespmem:s17], [sflag:$0x2] =	stream.indirect.gather [hbm4b:s4+s15], $0x80, s31, s15, $0xb8;
	[tilespmem:$0x1E800] =	vst v63  }
0x6d: {  	_ =	swait.ge [sflag:s18], $0x4000  }
0x6e: {  	[sflag:s18] =	ssyncset.done $0x0  }
0x6f: {  	s29 =	simm.s32 $0x15400;
	[sflag:s18] =	ssyncadd.s32 $0xFFFFC000  }
0x70: {  	[spmem:s1] =	stream.indirect.scatter.add.f32 [tilespmem:s16], [sflag:$0x3], $0x80, s29, s15, $0xb8;
	[tilespmem:$0x1E800] =	vst v63  }
0x71: {  	_ =	swait.ge [sflag:s12], $0x4000  }
0x72: {  	[sflag:s12] =	ssyncset.done $0x0  }
0x73: {  	s30 =	simm.s32 $0x14100;
	[sflag:s12] =	ssyncadd.s32 $0xFFFFC000  }
0x74: {  	[tilespmem:s16], [sflag:$0x1] =	stream.indirect.gather [hbm4b:s4+s15], $0x80, s30, s15, $0xb8;
	[tilespmem:$0x1E800] =	vst v63  }
0x75: {  	_ =	swait.ge [sflag:s19], $0x4000  }
0x76: {  	[sflag:s19] =	ssyncset.done $0x0  }
0x77: {  	s31 =	simm.s32 $0x15480;
	[sflag:s19] =	ssyncadd.s32 $0xFFFFC000  }
0x78: {  	[spmem:s1] =	stream.indirect.scatter.add.f32 [tilespmem:s17], [sflag:$0x3], $0x80, s31, s15, $0xb8;
	[tilespmem:$0x1E800] =	vst v63  }
0x79: {  	_ =	swait.ge [sflag:s12], $0x4000  }
0x7a: {  	s26 =	simm.s32 $0x100;
	s28 =	simm.s32 $0x800;
	[sflag:s12] =	ssyncset.done $0x0  }
.LBB2_4:
0x7b: {  	s29 =	sadd.s32 $0x14080, s26  }
0x7c: {  	[sflag:s12] =	ssyncadd.s32 $0xFFFFC000;
	s30 =	smov.u32 s28;
	s31 =	sadd.s32 $0x400, s28  }
0x7d: {  	[tilespmem:s17], [sflag:$0x2] =	stream.indirect.gather [hbm4b:s4+s15], $0x80, s29, s15, $0xb8;
	[tilespmem:$0x1E800] =	vst v63  }
0x7e: {  	p0 =	sne.s32 s28, $0x4800;
	_ =	swait.ge [sflag:s18], $0x4000  }
0x7f: {  	[sflag:s18] =	ssyncset.done $0x0  }
0x80: {  	s28 =	sadd.s32 $0x15400, s26;
	[sflag:s18] =	ssyncadd.s32 $0xFFFFC000  }
0x81: {  	[spmem:s1] =	stream.indirect.scatter.add.f32 [tilespmem:s16], [sflag:$0x3], $0x80, s28, s15, $0xb8;
	[tilespmem:$0x1E800] =	vst v63  }
0x82: {  	_ =	swait.ge [sflag:s12], $0x4000  }
0x83: {  	[sflag:s12] =	ssyncset.done $0x0  }
0x84: {  	s28 =	sadd.s32 $0x14100, s26;
	[sflag:s12] =	ssyncadd.s32 $0xFFFFC000  }
0x85: {  	[tilespmem:s16], [sflag:$0x1] =	stream.indirect.gather [hbm4b:s4+s15], $0x80, s28, s15, $0xb8;
	[tilespmem:$0x1E800] =	vst v63  }
0x86: {  	_ =	swait.ge [sflag:s19], $0x4000  }
.Ltmp1:
0x87: {  	[sflag:s19] =	ssyncset.done $0x0;
	(pc) =	sbr.rel @p0 .LBB2_4-.Ltmp1, $4  }
0x88: {  	s26 =	sadd.s32 $0x15480, s26;
	[sflag:s19] =	ssyncadd.s32 $0xFFFFC000  }
0x89: {  	[spmem:s1] =	stream.indirect.scatter.add.f32 [tilespmem:s17], [sflag:$0x3], $0x80, s26, s15, $0xb8;
	[tilespmem:$0x1E800] =	vst v63  }
0x8a: {  	_ =	swait.ge [sflag:s12], $0x4000  }
0x8b: {  	s28 =	smov.u32 s31;
	s26 =	sshra.s32 s30, $0x2;
	[sflag:s12] =	ssyncset.done $0x0  }
0x8c: {  	s28 =	sadd.s32 $0x14080, s26;
	[sflag:s12] =	ssyncadd.s32 $0xFFFFC000  }
0x8d: {  	[tilespmem:s17], [sflag:$0x2] =	stream.indirect.gather [hbm4b:s4+s15], $0x80, s28, s15, $0xb8;
	[tilespmem:$0x1E800] =	vst v63  }
0x8e: {  	_ =	swait.ge [sflag:s18], $0x4000  }
0x8f: {  	[sflag:s18] =	ssyncset.done $0x0  }
0x90: {  	s29 =	sadd.s32 $0x15400, s26;
	[sflag:s18] =	ssyncadd.s32 $0xFFFFC000  }
0x91: {  	[spmem:s1] =	stream.indirect.scatter.add.f32 [tilespmem:s16], [sflag:$0x3], $0x80, s29, s15, $0xb8;
	[tilespmem:$0x1E800] =	vst v63  }
0x92: {  	_ =	swait.ge [sflag:s12], $0x4000  }
0x93: {  	[sflag:s12] =	ssyncset.done $0x0  }
0x94: {  	s30 =	sadd.s32 $0x14100, s26;
	[sflag:s12] =	ssyncadd.s32 $0xFFFFC000  }
0x95: {  	[tilespmem:s16], [sflag:$0x1] =	stream.indirect.gather [hbm4b:s4+s15], $0x80, s30, s15, $0xb8;
	[tilespmem:$0x1E800] =	vst v63  }
0x96: {  	_ =	swait.ge [sflag:s19], $0x4000  }
0x97: {  	[sflag:s19] =	ssyncset.done $0x0  }
0x98: {  	s31 =	sadd.s32 $0x15480, s26;
	[sflag:s19] =	ssyncadd.s32 $0xFFFFC000  }
0x99: {  	[spmem:s1] =	stream.indirect.scatter.add.f32 [tilespmem:s17], [sflag:$0x3], $0x80, s31, s15, $0xb8;
	[tilespmem:$0x1E800] =	vst v63  }
0x9a: {  	_ =	swait.ge [sflag:s12], $0x4000  }
0x9b: {  	[sflag:s12] =	ssyncset.done $0x0  }
0x9c: {  	[sflag:s12] =	ssyncadd.s32 $0xFFFFC000  }
0x9d: {  	[tilespmem:s17], [sflag:$0x2] =	stream.indirect.gather [hbm4b:s4+s15], $0x80, s20, s15, $0xb8;
	[tilespmem:$0x1E800] =	vst v63  }
0x9e: {  	_ =	swait.ge [sflag:s18], $0x4000  }
0x9f: {  	[sflag:s18] =	ssyncset.done $0x0  }
0xa0: {  	[sflag:s18] =	ssyncadd.s32 $0xFFFFC000  }
0xa1: {  	[spmem:s1] =	stream.indirect.scatter.add.f32 [tilespmem:s16], [sflag:$0x3], $0x80, s21, s15, $0xb8;
	[tilespmem:$0x1E800] =	vst v63  }
0xa2: {  	_ =	swait.ge [sflag:s12], $0x4000  }
0xa3: {  	[sflag:s12] =	ssyncset.done $0x0  }
0xa4: {  	[sflag:s12] =	ssyncadd.s32 $0xFFFFC000  }
0xa5: {  	_ =	swait.ge [sflag:s19], $0x4000  }
0xa6: {  	[sflag:s19] =	ssyncset.done $0x0  }
0xa7: {  	[sflag:s19] =	ssyncadd.s32 $0xFFFFC000  }
0xa8: {  	[spmem:s1] =	stream.indirect.scatter.add.f32 [tilespmem:s17], [sflag:$0x3], $0x80, s22, s15, $0xb8;
	[tilespmem:$0x1E800] =	vst v63  }
0xa9: {  	_ =	swait.ge [sflag:s12], $0x4000  }
0xaa: {  	s25 =	sadd.s32 $0x1, s25;
	[sflag:s12] =	ssyncset.done $0x0  }
0xab: {  	p0 =	sne.s32 s25, s10;
	[sflag:s12] =	ssyncadd.s32 $0xFFFFC000  }
.Ltmp2:
0xac: {  	[bflag:$0x0] =	sbarrier.arrive $0xFFFF;
	(pc) =	sbr.rel @p0 .LBB2_1-.Ltmp2, $4  }
0xad: {  	[hbm:s9], [sflag:s6] =	dma.local [spmem:s11], $0x2800  }
0xae: {  	_ =	swait.ge [sflag:s12], $0x2800  }
0xaf: {  	[sflag:s12] =	ssyncset.done $0x0  }
0xb0: {  	[sflag:s12] =	ssyncadd.s32 $0xFFFFD800  }
0xb1: {  	_ =	sfence.sel $0x180000  }
0xb2: {  	[bflag:$0x0] =	sbarrier.arrive $0xFFFF  }
0xb3: {  	p0 =	sne.s32 s2, $0x0;
	_ =	strace $0x90000047  }
0xb4: {  	s0 =	sadd.s32 @!p0 $0x100000, s0;
	[bflag:$0x2] =	sbarrier.arrive $0xFFFF  }
0xb5: {  	[sflag:s0] =	ssyncadd.tile.s32 @!p0 $0x1;
	_ =	shalt  }
.Lfunc_end2:
_tile_overlayer_lowered:
.L_overlay_start_2:
0xb6: {  	(tag) =	ssettag $0x2  }
0xb7: {  	s0 =	rddreg [dreg:$0x0];
	s2 =	stileid.u32  }
0xb8: {  	s1 =	rddreg [dreg:$0x1];
	p0 =	sne.s32 s2, $0x0  }
0xb9: {  	s3 =	rddreg [dreg:$0x2];
	[bflag:$0x3] =	sbarrier.arrive $0xFFFF;
	s2 =	simm.s32 @!p0 $0x1C03  }
0xba: {  	[timem:s3], [sflag:s2] =	dma.local @!p0 [hbm:s0], s1  }
0xbb: {  	s0 =	simm.s32 @!p0 $0x3  }
0xbc: {  	_ =	swait.ge @!p0 [sflag:s0], s1  }
0xbd: {  	s1 =	ssub.s32 @!p0 $0x0, s1;
	[sflag:s0] =	ssyncset.done @!p0 $0x0  }
0xbe: {  	[sflag:s0] =	ssyncadd.s32 @!p0 s1  }
0xbf: {  	[bflag:$0x3] =	sbarrier.arrive $0xFFFF  }
0xc0: {  	_ =	shalt  }

// kernel: kernel.8.cloned.1.call-start
scs
__scs_entry_jumppad:
0x0: {  	(pc) =	sbr.rel $0x88, $3  }
0x1: {  	(tag) =	ssettag $0x0;
	lr =	simm.s32 $0x1  }
0x2: {  	[smem:$0x3F9B] =	sst lr;
	_ =	strace $0xD0000000  }
0x3: {  	_ = 	snop  }
0x4: {  	_ = 	snop  }
0x5: {  	_ = 	snop  }
0x6: {  	_ = 	snop  }
0x7: {  	_ = 	snop  }
__scs_overlays_trampoline_lowered:
0x8: {  	[smem:$0x3FAA] =	sst s0  }
0x9: {  	[smem:$0x3FAB] =	sst s1  }
0xa: {  	[smem:$0x3FAC] =	sst s2  }
0xb: {  	[smem:$0x3FAD] =	sst s3  }
0xc: {  	[smem:$0x3FAE] =	sst s4  }
0xd: {  	[smem:$0x3FAF] =	sst s5  }
0xe: {  	[smem:$0x3FB0] =	sst s6  }
0xf: {  	[smem:$0x3FB1] =	sst s7  }
0x10: {  	[smem:$0x3FB2] =	sst s8  }
0x11: {  	[smem:$0x3FB3] =	sst s9;
	s0 =	simm.s32 @!p0 $0x0  }
0x12: {  	s1 =	sld [smem:$0x3F99];
	s0 =	simm.s32 @p0 $0x1  }
0x13: {  	[smem:$0x3FB4] =	sst s0;
	s0 =	simm.s32 @!p1 $0x0  }
0x14: {  	s2 =	sld [smem:$0x3F98];
	s0 =	simm.s32 @p1 $0x1  }
0x15: {  	[smem:$0x3FB5] =	sst s0;
	s0 =	simm.s32 @!p2 $0x0  }
0x16: {  	s3 =	sld [smem:$0x3FDB];
	s0 =	simm.s32 @p2 $0x1  }
0x17: {  	s4 =	simm.s32 $0x1BF5;
	[smem:$0x3FB7] =	sst s0  }
0x18: {  	s0 =	sld [smem:$0x3F9A];
	_ =	swait.ge [sflag:s4], $0x0  }
0x19: {  	s7 =	sld [smem:$0x3F9B]  }
0x1a: {  	s8 =	sadd.s32 $0xFFFFE003, lr  }
0x1b: {  	s9 =	sadd.s32 $0xFFFFFEF7, lr;
	s5 =	simm.s32 $0xFFFFFFFF;
	p2 =	slt.u32 s8, $0xFFFFF086  }
0x1c: {  	p1 =	slt.u32 s9, $0xF7A;
	s5 =	simm.s32 @!p2 $0x0  }
0x1d: {  	s5 =	simm.s32 @p1 $0x1;
	p0 =	seq.s32 s7, s2  }
0x1e: {  	s7 =	smul.u32 @!p0 $0xF7A, s2;
	p2 =	seq.s32 @!p0 s5, $0x0  }
0x1f: {  	s9 =	smul.u32 $0xF7A, s1;
	s8 =	simm.s32 @!p0 $0x1BF5;
	p2 =	por !p2, p0  }
0x20: {  	[sflag:s8] =	ssyncset.s32 @!p0 $0xFFFFF086;
	s6 =	sadd.s32 @!p0 s3, s7;
	s7 =	simm.s32 @!p0 $0x108  }
0x21: {  	s3 =	sadd.s32 s3, s9;
	s6 =	sadd.s32 @!p0 $0x88, s6;
	s7 =	simm.s32 @p2 $0x1082  }
0x22: {  	[simem:s7], [sflag:s8] =	dma.local @!p0 [hbm:s6], $0xF7A  }
0x23: {  	s9 =	sor.u32 $0xD0000000, s2;
	s6 =	simm.s32 $0x108;
	_ =	swait.ge @!p0 [sflag:s8], $0x0  }
0x24: {  	s3 =	sadd.s32 $0x88, s3;
	s6 =	simm.s32 @!p1 $0x1082;
	[sflag:s4] =	ssyncset.s32 $0xFFFFF086  }
0x25: {  	[simem:s6], [sflag:s4] =	dma.local [hbm:s3], $0xF7A  }
0x26: {  	[smem:$0x3F9B] =	sst s1;
	(tag) =	ssettag s2;
	_ =	strace s9  }
0x27: {  	s1 =	sld [smem:$0x3FAB]  }
0x28: {  	s2 =	sld [smem:$0x3FAC]  }
0x29: {  	s4 =	sld [smem:$0x3FAE]  }
0x2a: {  	p0 =	seq.s32 s5, $0x0;
	s5 =	sld [smem:$0x3FAF]  }
0x2b: {  	s6 =	sld [smem:$0x3FB0]  }
0x2c: {  	s7 =	sld [smem:$0x3FB1]  }
0x2d: {  	s3 =	simm.s32 $0x108;
	s8 =	sld [smem:$0x3FB2]  }
0x2e: {  	s3 =	simm.s32 @!p0 $0x1082;
	s9 =	sld [smem:$0x3FB3]  }
0x2f: {  	lr =	sadd.s32 s0, s3;
	s0 =	sld [smem:$0x3FAA]  }
0x30: {  	s3 =	sld [smem:$0x3FAD]  }
0x31: {  	[smem:$0x3FB6] =	sst s10  }
0x32: {  	s10 =	sld [smem:$0x3FB4];
	_ =	sdelay $0x3  }
0x33: {  	p0 =	seq.s32 s10, $0x1;
	s10 =	sld [smem:$0x3FB6];
	_ =	sdelay $0x3  }
0x34: {  	[smem:$0x3FB6] =	sst s10  }
0x35: {  	s10 =	sld [smem:$0x3FB5];
	_ =	sdelay $0x3  }
0x36: {  	p1 =	seq.s32 s10, $0x1;
	s10 =	sld [smem:$0x3FB6];
	_ =	sdelay $0x3  }
0x37: {  	[smem:$0x3FB6] =	sst s10  }
0x38: {  	s10 =	sld [smem:$0x3FB7]  }
0x39: {  	_ = 	snop;
	(pc) =	sbr.ind lr, $3  }
0x3a: {  	_ = 	snop  }
0x3b: {  	_ = 	snop  }
0x3c: {  	p2 =	seq.s32 s10, $0x1;
	s10 =	sld [smem:$0x3FB6]  }
0x3d: {  	_ =	shalt  }
0x3e: {  	_ =	shalt  }
0x3f: {  	_ =	shalt  }
0x40: {  	_ =	shalt  }
0x41: {  	_ =	shalt  }
0x42: {  	_ =	shalt  }
0x43: {  	_ =	shalt  }
0x44: {  	_ =	shalt  }
0x45: {  	_ =	shalt  }
0x46: {  	_ =	shalt  }
0x47: {  	_ =	shalt  }
0x48: {  	_ =	shalt  }
0x49: {  	_ =	shalt  }
0x4a: {  	_ =	shalt  }
0x4b: {  	_ =	shalt  }
0x4c: {  	_ =	shalt  }
0x4d: {  	_ =	shalt  }
0x4e: {  	_ =	shalt  }
0x4f: {  	_ =	shalt  }
0x50: {  	_ =	shalt  }
0x51: {  	_ =	shalt  }
0x52: {  	_ =	shalt  }
0x53: {  	_ =	shalt  }
0x54: {  	_ =	shalt  }
0x55: {  	_ =	shalt  }
0x56: {  	_ =	shalt  }
0x57: {  	_ =	shalt  }
0x58: {  	_ =	shalt  }
0x59: {  	_ =	shalt  }
0x5a: {  	_ =	shalt  }
0x5b: {  	_ =	shalt  }
0x5c: {  	_ =	shalt  }
0x5d: {  	_ =	shalt  }
0x5e: {  	_ =	shalt  }
0x5f: {  	_ =	shalt  }
0x60: {  	_ =	shalt  }
0x61: {  	_ =	shalt  }
0x62: {  	_ =	shalt  }
0x63: {  	_ =	shalt  }
0x64: {  	_ =	shalt  }
0x65: {  	_ =	shalt  }
0x66: {  	_ =	shalt  }
0x67: {  	_ =	shalt  }
0x68: {  	_ =	shalt  }
0x69: {  	_ =	shalt  }
0x6a: {  	_ =	shalt  }
0x6b: {  	_ =	shalt  }
0x6c: {  	_ =	shalt  }
0x6d: {  	_ =	shalt  }
0x6e: {  	_ =	shalt  }
0x6f: {  	_ =	shalt  }
0x70: {  	_ =	shalt  }
0x71: {  	_ =	shalt  }
0x72: {  	_ =	shalt  }
0x73: {  	_ =	shalt  }
0x74: {  	_ =	shalt  }
0x75: {  	_ =	shalt  }
0x76: {  	_ =	shalt  }
0x77: {  	_ =	shalt  }
0x78: {  	_ =	shalt  }
0x79: {  	_ =	shalt  }
0x7a: {  	_ =	shalt  }
0x7b: {  	_ =	shalt  }
0x7c: {  	_ =	shalt  }
0x7d: {  	_ =	shalt  }
0x7e: {  	_ =	shalt  }
0x7f: {  	_ =	shalt  }
0x80: {  	_ =	shalt  }
0x81: {  	_ =	shalt  }
0x82: {  	_ =	shalt  }
0x83: {  	_ =	shalt  }
0x84: {  	_ =	shalt  }
0x85: {  	_ =	shalt  }
0x86: {  	_ =	shalt  }
0x87: {  	_ =	shalt  }
.Lfunc_end0:
.L_simem_size_0:
called_computation.1_lowered:
.L_overlay_start_0:
0x88: {  	s2 =	sld [smem:$0x3FD9]  }
0x89: {  	s3 =	sld [smem:$0x3FFE];
	_ =	sdelay $0x1  }
0x8a: {  	s1 =	srdreg.scid  }
0x8b: {  	s0 =	sand.u32 $0x1, s1  }
0x8c: {  	s17 =	sshll.u32 s0, $0xA;
	s2 =	sadd.s32 s3, s2  }
0x8d: {  	s2 =	sadd.s32 s2, s17  }
0x8e: {  	[smem:$0x3FC2] =	sst s2  }
0x8f: {  	_ = 	snop  }
0x90: {  	s2 =	sld [smem:$0x3FD0];
	(tm) =	ssettm $0x1  }
0x91: {  	s18 =	sld [smem:$0x3FFB];
	_ =	sdelay $0x3  }
0x92: {  	_ =	strace s18  }
0x93: {  	s3 =	sld [smem:$0x3FFC];
	_ =	sdelay $0x3  }
0x94: {  	_ =	strace s3  }
0x95: {  	s3 =	sld [smem:$0x3FFD];
	_ =	sdelay $0x3  }
0x96: {  	_ =	strace s3  }
0x97: {  	_ =	strace $0x8FFFFFFF  }
0x98: {  	s19 =	sld [smem:$0x3FDB];
	_ =	sdelay $0x1  }
0x99: {  	s4 =	simm.s32 $_scs_section_size  }
0x9a: {  	s5 =	simm.s32 $_size__tile_overlayer_lowered;
	s6 =	simm.s32 $_tile_overlayer_lowered  }
0x9b: {  	s22 =	simm.s32 $0x1BFF;
	s21 =	sshll.u32 s6, $0x1;
	s3 =	sadd.s32 s4, s19  }
0x9c: {  	s7 =	simm.s32 $0x0;
	s20 =	sshll.u32 s5, $0x1;
	s5 =	sadd.s32 s21, s3  }
0x9d: {  	[timem:s7], [sflag:s22] =	dma.local [hbm:s5], s20  }
0x9e: {  	_ =	swait.ge [sflag:s22], s20  }
0x9f: {  	s4 =	ssub.s32 $0x0, s20;
	[sflag:s22] =	ssyncset.done $0x0  }
0xa0: {  	[sflag:s22] =	ssyncadd.s32 s4;
	_ =	sdelay $0x1  }
0xa1: {  	s23 =	simm.s32 $0x1B8B  }
0xa2: {  	_ =	swait.ge [sflag:s23], $0x1  }
0xa3: {  	[sflag:s23] =	ssyncset.done $0x0  }
0xa4: {  	s25 =	simm.s32 $0x1B8E;
	s24 =	sld [smem:$0x3FFE];
	[sflag:s23] =	ssyncadd.s32 $0xFFFFFFFF  }
0xa5: {  	s26 =	simm.s32 $execute0_lowered;
	[smem:$0x3FD2] =	sst s25  }
0xa6: {  	s5 =	sshll.u32 s26, $0x1;
	_ =	strace $0x80000049;
	[dreg:$0x1] =	wrdreg $0xFFFFFFFF  }
0xa7: {  	s28 =	simm.s32 $_size_execute0_lowered;
	s3 =	sadd.s32 s3, s5;
	[dreg:$0x0] =	wrdreg $0x0  }
0xa8: {  	s5 =	sshll.u32 s28, $0x1;
	[dreg:$0x2] =	wrdreg s3  }
0xa9: {  	[dreg:$0x3] =	wrdreg s5  }
0xaa: {  	[dreg:$0x4] =	wrdreg $0xC0  }
0xab: {  	_ =	task [dreg:s7], $0x5FFFF  }
0xac: {  	[dreg:$0x1] =	wrdreg $0xFFFFFFFF  }
0xad: {  	[dreg:$0x0] =	wrdreg $0x60  }
0xae: {  	[dreg:$0x2] =	wrdreg s24  }
0xaf: {  	[dreg:$0x3] =	wrdreg s2  }
0xb0: {  	[dreg:$0x4] =	wrdreg $0x0  }
0xb1: {  	[dreg:$0x5] =	wrdreg $0x9  }
0xb2: {  	_ =	task.clear_ibuf [dreg:s7], $0x6FFFF;
	_ =	strace $0x90000049  }
0xb3: {  	s29 =	simm.s32 $0x9;
	_ =	strace $0x8000004B  }
0xb4: {  	_ =	swait.ge [sflag:s29], $0x1  }
0xb5: {  	[sflag:s29] =	ssyncadd.s32 $0xFFFFFFFF  }
0xb6: {  	_ =	strace $0x9000004B  }
0xb7: {  	_ =	sfence  }
0xb8: {  	s30 =	sld [smem:$0x0];
	_ =	sdelay $0x2  }
0xb9: {  	s31 =	sshll.u32 s1, $0xD;
	s1 =	sshrl.u32 s1, $0x2  }
0xba: {  	s3 =	sand.u32 $0x4000, s31;
	s1 =	sadd.s32 s1, s30  }
0xbb: {  	s0 =	sor.u32 s3, s0;
	s1 =	sshll.u32 s1, $0x11  }
0xbc: {  	s0 =	sor.u32 s1, s0  }
0xbd: {  	s0 =	sadd.s32 $0x8F2B, s0  }
0xbe: {  	[sflag:s0] =	ssyncadd.remote.s32 $0x1  }
0xbf: {  	_ =	sfence.sel $0xFFFF  }
0xc0: {  	[dreg:$0x0] =	wrdreg $0xFFFFFFFF;
	(pc) =	sbr.abs _section_cstart, $3  }
0xc1: {  	[dreg:$0x1] =	wrdreg $0xFFFFFFFF  }
0xc2: {  	_ =	task.clear_ibuf [dreg:s7], $0x2FFFF;
	_ =	strace $0x9FFFFFFF  }
0xc3: {  	(tm) =	ssettm $0x7FFFFFFF  }
tec
execute0_lowered:
.L_overlay_start_1:
0x0: {  	(tag) =	ssettag $0x1  }
0x1: {  	s5 =	rddreg [dreg:$0x0]  }
0x2: {  	s8 =	rddreg [dreg:$0x1]  }
0x3: {  	s1 =	rddreg [dreg:$0x2]  }
0x4: {  	s2 =	srdreg.scid;
	s0 =	rddreg [dreg:$0x3]  }
0x5: {  	s3 =	simm.s32 $0x0;
	s14 =	simm.s32 $0x5000;
	s15 =	simm.s32 $0x80  }
0x6: {  	s16 =	simm.s32 $0x7800;
	s17 =	simm.s32 $0x8000;
	s18 =	simm.s32 $0x1  }
0x7: {  	s19 =	simm.s32 $0x2;
	s20 =	simm.s32 $0x4F80;
	s6 =	sand.u32 $0x1, s2  }
0x8: {  	s21 =	simm.s32 $0x7700;
	s2 =	stileid.u32;
	s7 =	smul.u32 $0x2800, s6  }
0x9: {  	s22 =	simm.s32 $0x7780;
	s23 =	simm.s32 $0x0;
	s9 =	smul.u32 $0x280, s2  }
0xa: {  	[smem:$0x7FF] =	sst s3;
	s4 =	sshll.u32 s6, $0x4;
	s26 =	smul.u32 $0xA000, s2  }
0xb: {  	_ =	strace $0x8000004A;
	s6 =	ssub.s32 $0x2, s6;
	s30 =	smul.u32 $0x500, s2  }
0xc: {  	s31 =	sshll.u32 s2, $0x6;
	s10 =	sor.u32 s2, s4;
	s4 =	sadd.s32 $0x1800, s5  }
0xd: {  	s28 =	sshrl.u32 s6, $0x1;
	s10 =	smul.u32 $0x500, s10;
	s7 =	sadd.s32 s9, s7  }
0xe: {  	s12 =	ssub.s32 s6, s28;
	s29 =	sshrl.u32 s26, $0x2;
	s7 =	sshll.u32 s7, $0x1  }
0xf: {  	s6 =	sor.u32 $0x1C03, s31;
	s8 =	sadd.s32 s8, s30;
	s11 =	sadd.s32 s7, s5  }
0x10: {  	s13 =	sadd.s32 s29, s1;
	s10 =	sadd.s32 s10, s5;
	s5 =	sadd.s32 $0x105800, s11  }
0x11: {  	s7 =	sadd.s32 $0xFB800, s10;
	s9 =	sadd.s32 $0xB800, s11;
	s10 =	smax.u32 s12, $0x1  }
0x12: {  	s11 =	sshrl.u32 s13, $0x3;
	s12 =	simm.s32 $0x3;
	s13 =	simm.s32 $0x2800  }
.LBB2_1:
0x13: {  	[spmem:s11], [sflag:s6] =	dma.local [hbm:s5], $0x500  }
0x14: {  	_ =	swait.ge [sflag:s12], $0x500  }
0x15: {  	[sflag:s12] =	ssyncset.done $0x0  }
0x16: {  	[sflag:s12] =	ssyncadd.s32 $0xFFFFFB00  }
0x17: {  	[bflag:$0x0] =	sbarrier.arrive $0xFFFF  }
0x18: {  	[tilespmem:s13], [sflag:$0x3] =	stream.linear.gather [hbm4b:s7+s3], $0x2800, $0x38;
	[tilespmem:$0x8800] =	vst v63  }
0x19: {  	_ =	swait.ge [sflag:s12], $0x2800  }
0x1a: {  	[sflag:s12] =	ssyncset.done $0x0  }
0x1b: {  	[sflag:s12] =	ssyncadd.s32 $0xFFFFD800  }
0x1c: {  	[tilespmem:s14], [sflag:$0x3] =	stream.linear.gather [hbm4b:s8+s3], $0x2800, $0x38;
	[tilespmem:$0x8800] =	vst v63  }
0x1d: {  	_ =	swait.ge [sflag:s12], $0x2800  }
0x1e: {  	[sflag:s12] =	ssyncset.done $0x0  }
0x1f: {  	[sflag:s12] =	ssyncadd.s32 $0xFFFFD800  }
0x20: {  	[tilespmem:s16], [sflag:$0x1] =	stream.indirect.gather [hbm4b:s4+s15], $0x10, s13, s15, $0xb8;
	[tilespmem:$0x8800] =	vst v63  }
0x21: {  	s24 =	simm.s32 $0x2880  }
0x22: {  	[tilespmem:s17], [sflag:$0x2] =	stream.indirect.gather [hbm4b:s4+s15], $0x10, s24, s15, $0xb8;
	[tilespmem:$0x8800] =	vst v63  }
0x23: {  	_ =	swait.ge [sflag:s18], $0x800  }
0x24: {  	[sflag:s18] =	ssyncset.done $0x0  }
0x25: {  	s29 =	simm.s32 $0x5000;
	[sflag:s18] =	ssyncadd.s32 $0xFFFFF800  }
0x26: {  	[spmem:s1] =	stream.indirect.scatter.add.f32 [tilespmem:s16], [sflag:$0x3], $0x10, s29, s15, $0xb8;
	[tilespmem:$0x8800] =	vst v63  }
0x27: {  	_ =	swait.ge [sflag:s12], $0x800  }
0x28: {  	[sflag:s12] =	ssyncset.done $0x0  }
0x29: {  	s30 =	simm.s32 $0x2900;
	[sflag:s12] =	ssyncadd.s32 $0xFFFFF800  }
0x2a: {  	[tilespmem:s16], [sflag:$0x1] =	stream.indirect.gather [hbm4b:s4+s15], $0x10, s30, s15, $0xb8;
	[tilespmem:$0x8800] =	vst v63  }
0x2b: {  	_ =	swait.ge [sflag:s19], $0x800  }
0x2c: {  	[sflag:s19] =	ssyncset.done $0x0  }
0x2d: {  	s31 =	simm.s32 $0x5080;
	[sflag:s19] =	ssyncadd.s32 $0xFFFFF800  }
0x2e: {  	[spmem:s1] =	stream.indirect.scatter.add.f32 [tilespmem:s17], [sflag:$0x3], $0x10, s31, s15, $0xb8;
	[tilespmem:$0x8800] =	vst v63  }
0x2f: {  	_ =	swait.ge [sflag:s12], $0x800  }
0x30: {  	s25 =	simm.s32 $0x800;
	s24 =	simm.s32 $0x100;
	[sflag:s12] =	ssyncset.done $0x0  }
.LBB2_2:
0x31: {  	s26 =	sadd.s32 $0x2880, s24  }
0x32: {  	[sflag:s12] =	ssyncadd.s32 $0xFFFFF800;
	s28 =	smov.u32 s25;
	s29 =	sadd.s32 $0x400, s25  }
0x33: {  	[tilespmem:s17], [sflag:$0x2] =	stream.indirect.gather [hbm4b:s4+s15], $0x10, s26, s15, $0xb8;
	[tilespmem:$0x8800] =	vst v63  }
0x34: {  	p0 =	sne.s32 s25, $0x9800;
	_ =	swait.ge [sflag:s18], $0x800  }
0x35: {  	[sflag:s18] =	ssyncset.done $0x0  }
0x36: {  	s25 =	sadd.s32 $0x5000, s24;
	[sflag:s18] =	ssyncadd.s32 $0xFFFFF800  }
0x37: {  	[spmem:s1] =	stream.indirect.scatter.add.f32 [tilespmem:s16], [sflag:$0x3], $0x10, s25, s15, $0xb8;
	[tilespmem:$0x8800] =	vst v63  }
0x38: {  	_ =	swait.ge [sflag:s12], $0x800  }
0x39: {  	[sflag:s12] =	ssyncset.done $0x0  }
0x3a: {  	s25 =	sadd.s32 $0x2900, s24;
	[sflag:s12] =	ssyncadd.s32 $0xFFFFF800  }
0x3b: {  	[tilespmem:s16], [sflag:$0x1] =	stream.indirect.gather [hbm4b:s4+s15], $0x10, s25, s15, $0xb8;
	[tilespmem:$0x8800] =	vst v63  }
0x3c: {  	_ =	swait.ge [sflag:s19], $0x800  }
.Ltmp0:
0x3d: {  	[sflag:s19] =	ssyncset.done $0x0;
	(pc) =	sbr.rel @p0 .LBB2_2-.Ltmp0, $4  }
0x3e: {  	s24 =	sadd.s32 $0x5080, s24;
	[sflag:s19] =	ssyncadd.s32 $0xFFFFF800  }
0x3f: {  	[spmem:s1] =	stream.indirect.scatter.add.f32 [tilespmem:s17], [sflag:$0x3], $0x10, s24, s15, $0xb8;
	[tilespmem:$0x8800] =	vst v63  }
0x40: {  	_ =	swait.ge [sflag:s12], $0x800  }
0x41: {  	s25 =	smov.u32 s29;
	s24 =	sshra.s32 s28, $0x2;
	[sflag:s12] =	ssyncset.done $0x0  }
0x42: {  	s25 =	sadd.s32 $0x2880, s24;
	[sflag:s12] =	ssyncadd.s32 $0xFFFFF800  }
0x43: {  	[tilespmem:s17], [sflag:$0x2] =	stream.indirect.gather [hbm4b:s4+s15], $0x10, s25, s15, $0xb8;
	[tilespmem:$0x8800] =	vst v63  }
0x44: {  	_ =	swait.ge [sflag:s18], $0x800  }
0x45: {  	[sflag:s18] =	ssyncset.done $0x0  }
0x46: {  	s29 =	sadd.s32 $0x5000, s24;
	[sflag:s18] =	ssyncadd.s32 $0xFFFFF800  }
0x47: {  	[spmem:s1] =	stream.indirect.scatter.add.f32 [tilespmem:s16], [sflag:$0x3], $0x10, s29, s15, $0xb8;
	[tilespmem:$0x8800] =	vst v63  }
0x48: {  	_ =	swait.ge [sflag:s12], $0x800  }
0x49: {  	[sflag:s12] =	ssyncset.done $0x0  }
0x4a: {  	s30 =	sadd.s32 $0x2900, s24;
	[sflag:s12] =	ssyncadd.s32 $0xFFFFF800  }
0x4b: {  	[tilespmem:s16], [sflag:$0x1] =	stream.indirect.gather [hbm4b:s4+s15], $0x10, s30, s15, $0xb8;
	[tilespmem:$0x8800] =	vst v63  }
0x4c: {  	_ =	swait.ge [sflag:s19], $0x800  }
0x4d: {  	[sflag:s19] =	ssyncset.done $0x0  }
0x4e: {  	s31 =	sadd.s32 $0x5080, s24;
	[sflag:s19] =	ssyncadd.s32 $0xFFFFF800  }
0x4f: {  	[spmem:s1] =	stream.indirect.scatter.add.f32 [tilespmem:s17], [sflag:$0x3], $0x10, s31, s15, $0xb8;
	[tilespmem:$0x8800] =	vst v63  }
0x50: {  	_ =	swait.ge [sflag:s12], $0x800  }
0x51: {  	[sflag:s12] =	ssyncset.done $0x0  }
0x52: {  	[sflag:s12] =	ssyncadd.s32 $0xFFFFF800  }
0x53: {  	[tilespmem:s17], [sflag:$0x2] =	stream.indirect.gather [hbm4b:s4+s15], $0x10, s20, s15, $0xb8;
	[tilespmem:$0x8800] =	vst v63  }
0x54: {  	_ =	swait.ge [sflag:s18], $0x800  }
0x55: {  	[sflag:s18] =	ssyncset.done $0x0  }
0x56: {  	[sflag:s18] =	ssyncadd.s32 $0xFFFFF800  }
0x57: {  	[spmem:s1] =	stream.indirect.scatter.add.f32 [tilespmem:s16], [sflag:$0x3], $0x10, s21, s15, $0xb8;
	[tilespmem:$0x8800] =	vst v63  }
0x58: {  	_ =	swait.ge [sflag:s12], $0x800  }
0x59: {  	[sflag:s12] =	ssyncset.done $0x0  }
0x5a: {  	[sflag:s12] =	ssyncadd.s32 $0xFFFFF800  }
0x5b: {  	_ =	swait.ge [sflag:s19], $0x800  }
0x5c: {  	[sflag:s19] =	ssyncset.done $0x0  }
0x5d: {  	[sflag:s19] =	ssyncadd.s32 $0xFFFFF800  }
0x5e: {  	[spmem:s1] =	stream.indirect.scatter.add.f32 [tilespmem:s17], [sflag:$0x3], $0x10, s22, s15, $0xb8;
	[tilespmem:$0x8800] =	vst v63  }
0x5f: {  	_ =	swait.ge [sflag:s12], $0x800  }
0x60: {  	s23 =	sadd.s32 $0x1, s23;
	[sflag:s12] =	ssyncset.done $0x0  }
0x61: {  	p0 =	sne.s32 s23, s10;
	[sflag:s12] =	ssyncadd.s32 $0xFFFFF800  }
.Ltmp1:
0x62: {  	[bflag:$0x0] =	sbarrier.arrive $0xFFFF;
	(pc) =	sbr.rel @p0 .LBB2_1-.Ltmp1, $4  }
0x63: {  	[hbm:s9], [sflag:s6] =	dma.local [spmem:s11], $0x500  }
0x64: {  	_ =	swait.ge [sflag:s12], $0x500  }
0x65: {  	[sflag:s12] =	ssyncset.done $0x0  }
0x66: {  	[sflag:s12] =	ssyncadd.s32 $0xFFFFFB00  }
0x67: {  	_ =	sfence.sel $0x180000  }
0x68: {  	[bflag:$0x0] =	sbarrier.arrive $0xFFFF  }
0x69: {  	p0 =	sne.s32 s2, $0x0;
	_ =	strace $0x9000004A  }
0x6a: {  	s0 =	sadd.s32 @!p0 $0x100000, s0;
	[bflag:$0x2] =	sbarrier.arrive $0xFFFF  }
0x6b: {  	[sflag:s0] =	ssyncadd.tile.s32 @!p0 $0x1;
	_ =	shalt  }
.Lfunc_end2:
_tile_overlayer_lowered:
.L_overlay_start_2:
0x6c: {  	(tag) =	ssettag $0x2  }
0x6d: {  	s0 =	rddreg [dreg:$0x0];
	s2 =	stileid.u32  }
0x6e: {  	s1 =	rddreg [dreg:$0x1];
	p0 =	sne.s32 s2, $0x0  }
0x6f: {  	s3 =	rddreg [dreg:$0x2];
	[bflag:$0x3] =	sbarrier.arrive $0xFFFF;
	s2 =	simm.s32 @!p0 $0x1C03  }
0x70: {  	[timem:s3], [sflag:s2] =	dma.local @!p0 [hbm:s0], s1  }
0x71: {  	s0 =	simm.s32 @!p0 $0x3  }
0x72: {  	_ =	swait.ge @!p0 [sflag:s0], s1  }
0x73: {  	s1 =	ssub.s32 @!p0 $0x0, s1;
	[sflag:s0] =	ssyncset.done @!p0 $0x0  }
0x74: {  	[sflag:s0] =	ssyncadd.s32 @!p0 s1  }
0x75: {  	[bflag:$0x3] =	sbarrier.arrive $0xFFFF  }
0x76: {  	_ =	shalt  }

</sc_bundles>
